<compile_context>
chip_gen: v7x
topology: tpu7x:2x2x1
jax: 0.10.2.dev20260603
libtpu: 0.0.44.dev20260713+nightly
codegen_flags: <defaults>
</compile_context>

<pallas_src>
import functools

import jax
import jax.numpy as jnp
from jax import lax
from jax.experimental import pallas as pl
from jax.experimental.pallas import tpu as pltpu
from jax.experimental.pallas import tpu_sc as plsc

N_NODES = 10000
N_EDGES = 320000
D_IN = 128
D_H = 64

NC = 2
NS = 16
NW = NC * NS

CH = 200
NCHUNK = 50
EDGES_PER_W = CH * NCHUNK
N_PAD = 10240
ROWS_PER_TILE = N_PAD // NS
N_ACC = 10112
ROWS_ACC = N_ACC // NS

ZR = 79
CH_PAD = 208


def _sc_aggregate(with_deg):
    out_type = [jax.ShapeDtypeStruct((NC, N_NODES, D_H), jnp.float32)]
    scratch = (
        [pltpu.VMEM((NCHUNK, CH), jnp.int32),
         pltpu.VMEM((NCHUNK, CH), jnp.int32)]
        + [pltpu.VMEM((CH, D_H), jnp.float32)] * 2
        + [pltpu.VMEM_SHARED((N_ACC, D_H), jnp.float32),
           pltpu.VMEM_SHARED((N_NODES, D_H), jnp.float32)]
        + [pltpu.SemaphoreType.DMA] * 2
    )
    if with_deg:
        out_type.append(jax.ShapeDtypeStruct((NC, 1, N_PAD), jnp.float32))
        scratch += [
            pltpu.VMEM((CH_PAD,), jnp.float32),
            pltpu.VMEM((ROWS_PER_TILE,), jnp.float32),
            pltpu.VMEM_SHARED((N_PAD,), jnp.float32),
            pltpu.SemaphoreType.DMA,
        ]

    mesh = plsc.VectorSubcoreMesh(core_axis_name="c", subcore_axis_name="s")

    @functools.partial(pl.kernel, out_type=out_type, mesh=mesh,
                       scratch_types=scratch,
                       compiler_params=pltpu.CompilerParams(
                           use_tc_tiling_on_sc=False))
    def body(src3, dst3, y_hbm, *rest):
        if with_deg:
            (agg_out, deg_out, src_v, dst_v, rows_a, rows_b, acc_sh,
             y_sh, sem_a, sem_b, ones_v, zd_v, deg_sh, dsem) = rest
        else:
            (agg_out, src_v, dst_v, rows_a, rows_b, acc_sh,
             y_sh, sem_a, sem_b) = rest

        cid = lax.axis_index("c")
        sid = lax.axis_index("s")
        wid = sid * NC + cid
        base_row = sid * ROWS_PER_TILE
        base_acc = sid * ROWS_ACC

        z16 = jnp.zeros((16,), jnp.float32)

        def zrow_body(r, _):
            for c4 in range(D_H // 16):
                rows_a[r, pl.ds(c4 * 16, 16)] = z16
            return 0
        lax.fori_loop(0, ZR, zrow_body, 0)

        def zacc_body(k, _):
            pltpu.sync_copy(rows_a.at[pl.ds(0, ZR)],
                            acc_sh.at[pl.ds(base_acc + k * ZR, ZR)])
            return 0
        lax.fori_loop(0, ROWS_ACC // ZR, zacc_body, 0)

        if with_deg:
            for i in range(CH_PAD // 16):
                ones_v[pl.ds(i * 16, 16)] = z16 + 1.0
            def zd_body(i, _):
                zd_v[pl.ds(i * 16, 16)] = z16
                return 0
            lax.fori_loop(0, ROWS_PER_TILE // 16, zd_body, 0)
            pltpu.sync_copy(zd_v, deg_sh.at[pl.ds(base_row, ROWS_PER_TILE)])

        pltpu.sync_copy(src3.at[wid], src_v)
        pltpu.sync_copy(dst3.at[wid], dst_v)

        nvalid_last = N_NODES - (NS - 1) * ROWS_PER_TILE

        @pl.when(sid < NS - 1)
        def _():
            pltpu.sync_copy(y_hbm.at[pl.ds(base_row, ROWS_PER_TILE)],
                            y_sh.at[pl.ds(base_row, ROWS_PER_TILE)])

        @pl.when(sid == NS - 1)
        def _():
            pltpu.sync_copy(y_hbm.at[pl.ds(base_row, nvalid_last)],
                            y_sh.at[pl.ds(base_row, nvalid_last)])

        plsc.subcore_barrier()

        pltpu.async_copy(y_sh.at[src_v.at[0]], rows_a, sem_a)

        def chunk_body(k, _):
            j0 = 2 * k
            cpb = pltpu.async_copy(y_sh.at[src_v.at[j0 + 1]], rows_b, sem_b)
            pltpu.make_async_copy(y_sh.at[src_v.at[j0]], rows_a, sem_a).wait()
            if with_deg:
                d0 = pltpu.async_copy(ones_v.at[pl.ds(0, CH)],
                                      deg_sh.at[dst_v.at[j0]],
                                      dsem, add=True)
            pltpu.sync_copy(rows_a, acc_sh.at[dst_v.at[j0]], add=True)

            @pl.when(j0 + 2 < NCHUNK)
            def _():
                pltpu.async_copy(y_sh.at[src_v.at[j0 + 2]], rows_a, sem_a)

            cpb.wait()
            if with_deg:
                d1 = pltpu.async_copy(ones_v.at[pl.ds(0, CH)],
                                      deg_sh.at[dst_v.at[j0 + 1]],
                                      dsem, add=True)
            pltpu.sync_copy(rows_b, acc_sh.at[dst_v.at[j0 + 1]], add=True)
            if with_deg:
                d0.wait()
                d1.wait()
            return 0
        lax.fori_loop(0, NCHUNK // 2, chunk_body, 0)

        plsc.subcore_barrier()

        nacc_last = N_NODES - (NS - 1) * ROWS_ACC

        @pl.when(sid < NS - 1)
        def _():
            pltpu.sync_copy(acc_sh.at[pl.ds(base_acc, ROWS_ACC)],
                            agg_out.at[cid, pl.ds(base_acc, ROWS_ACC)])

        @pl.when(sid == NS - 1)
        def _():
            pltpu.sync_copy(acc_sh.at[pl.ds(base_acc, nacc_last)],
                            agg_out.at[cid, pl.ds(base_acc, nacc_last)])

        if with_deg:
            pltpu.sync_copy(deg_sh.at[pl.ds(base_row, ROWS_PER_TILE)],
                            deg_out.at[cid, 0, pl.ds(base_row, ROWS_PER_TILE)])

    return body


_sc_agg_deg = _sc_aggregate(with_deg=True)
_sc_agg = _sc_aggregate(with_deg=False)


BR = 2000


def _tc1_body(x_ref, wl_ref, wr_ref, y1_ref, xr_ref):
    xb = x_ref[...]
    y1_ref[...] = jnp.dot(xb, wl_ref[...], preferred_element_type=jnp.float32)
    xr_ref[...] = jnp.dot(xb, wr_ref[...], preferred_element_type=jnp.float32)


def _tc1(x, wl, wr):
    return pl.pallas_call(
        _tc1_body,
        grid=(N_NODES // BR,),
        in_specs=[
            pl.BlockSpec((BR, D_IN), lambda i: (i, 0)),
            pl.BlockSpec((D_IN, D_H), lambda i: (0, 0)),
            pl.BlockSpec((D_IN, D_H), lambda i: (0, 0)),
        ],
        out_specs=[
            pl.BlockSpec((BR, D_H), lambda i: (i, 0)),
            pl.BlockSpec((BR, D_H), lambda i: (i, 0)),
        ],
        out_shape=[
            jax.ShapeDtypeStruct((N_NODES, D_H), jnp.float32),
            jax.ShapeDtypeStruct((N_NODES, D_H), jnp.float32),
        ],
    )(x, wl, wr)


def _combine(p_ref, d_ref, res_ref, b_ref):
    agg = p_ref[0] + p_ref[1]
    deg = jnp.maximum(d_ref[..., 0] + d_ref[..., 1], 1.0)
    out = agg / deg[:, None] + b_ref[0][None, :] + res_ref[...]
    nrm = jnp.sqrt(jnp.sum(out * out, axis=1, keepdims=True))
    return out / jnp.maximum(nrm, 1e-12)


def _tc2_body(p_ref, d_ref, xr_ref, b1_ref, wl_ref, wr_ref, y2_ref, hr_ref):
    h = jnp.maximum(_combine(p_ref, d_ref, xr_ref, b1_ref), 0.0)
    y2_ref[...] = jnp.dot(h, wl_ref[...], preferred_element_type=jnp.float32)
    hr_ref[...] = jnp.dot(h, wr_ref[...], preferred_element_type=jnp.float32)


def _tc2(p, d, xr, b1, wl, wr):
    return pl.pallas_call(
        _tc2_body,
        grid=(N_NODES // BR,),
        in_specs=[
            pl.BlockSpec((NC, BR, D_H), lambda i: (0, i, 0)),
            pl.BlockSpec((BR, NC), lambda i: (i, 0)),
            pl.BlockSpec((BR, D_H), lambda i: (i, 0)),
            pl.BlockSpec((1, D_H), lambda i: (0, 0)),
            pl.BlockSpec((D_H, D_H), lambda i: (0, 0)),
            pl.BlockSpec((D_H, D_H), lambda i: (0, 0)),
        ],
        out_specs=[
            pl.BlockSpec((BR, D_H), lambda i: (i, 0)),
            pl.BlockSpec((BR, D_H), lambda i: (i, 0)),
        ],
        out_shape=[
            jax.ShapeDtypeStruct((N_NODES, D_H), jnp.float32),
            jax.ShapeDtypeStruct((N_NODES, D_H), jnp.float32),
        ],
    )(p, d, xr, b1, wl, wr)


def _tc3_body(p_ref, d_ref, hr_ref, b2_ref, wc1_ref, bc1_ref, wc2_ref,
              bc2_ref, out_ref):
    h2 = _combine(p_ref, d_ref, hr_ref, b2_ref)
    c = jnp.maximum(
        jnp.dot(h2, wc1_ref[...], preferred_element_type=jnp.float32)
        + bc1_ref[0][None, :], 0.0)
    logits = jnp.dot(c, wc2_ref[...], preferred_element_type=jnp.float32)
    out_ref[...] = logits + bc2_ref[0, 0]


def _tc3(p, d, hr, b2, wc1, bc1, wc2, bc2):
    return pl.pallas_call(
        _tc3_body,
        grid=(N_NODES // BR,),
        in_specs=[
            pl.BlockSpec((NC, BR, D_H), lambda i: (0, i, 0)),
            pl.BlockSpec((BR, NC), lambda i: (i, 0)),
            pl.BlockSpec((BR, D_H), lambda i: (i, 0)),
            pl.BlockSpec((1, D_H), lambda i: (0, 0)),
            pl.BlockSpec((D_H, D_H // 2), lambda i: (0, 0)),
            pl.BlockSpec((1, D_H // 2), lambda i: (0, 0)),
            pl.BlockSpec((D_H // 2, 1), lambda i: (0, 0)),
            pl.BlockSpec((1, 1), lambda i: (0, 0)),
        ],
        out_specs=pl.BlockSpec((BR, 1), lambda i: (i, 0)),
        out_shape=jax.ShapeDtypeStruct((N_NODES, 1), jnp.float32),
    )(p, d, hr, b2, wc1, bc1, wc2, bc2)


def kernel(x, edge_index, W1l, b1, W1r, W2l, b2, W2r, Wc1, bc1, Wc2, bc2):
    src3 = edge_index[0].reshape(NW, NCHUNK, CH)
    dst3 = edge_index[1].reshape(NW, NCHUNK, CH)

    y1, xr = _tc1(x, W1l, W1r)
    agg1, deg = _sc_agg_deg(src3, dst3, y1)
    deg_t = jnp.transpose(deg[:, 0, :N_NODES])
    y2, hr = _tc2(agg1, deg_t, xr, b1.reshape(1, D_H), W2l, W2r)
    (agg2,) = _sc_agg(src3, dst3, y2)
    logits = _tc3(agg2, deg_t, hr, b2.reshape(1, D_H), Wc1,
                  bc1.reshape(1, D_H // 2), Wc2, bc2.reshape(1, 1))
    return logits.reshape(N_NODES)

# --- scband reference (transcript-rebuilt; emitter-appended) ---
"""Pipeline reference for scband-static-susceptibility-gnn-15985868275842 (READ-ONLY COPY).

The authoritative reference and input builder live on the scoring server;
editing this copy changes nothing except your own understanding.
"""

import jax, jax.numpy as jnp
import numpy as np

N = 10000
E = 320000
D_IN = 128
D_H = 64


def _sage_conv(x, src, dst, Wl, bl, Wr):
    # PyG SAGEConv with mean aggregation and normalize=True
    msgs = x[src]
    agg = jax.ops.segment_sum(msgs, dst, num_segments=N)
    deg = jax.ops.segment_sum(jnp.ones((src.shape[0],), dtype=x.dtype), dst, num_segments=N)
    agg = agg / jnp.maximum(deg, 1.0)[:, None]
    out = agg @ Wl + bl + x @ Wr
    norm = jnp.linalg.norm(out, axis=-1, keepdims=True)
    return out / jnp.maximum(norm, 1e-12)


def setup_inputs(seed: int = 0):
    key = jax.random.key(seed)
    ks = jax.random.split(key, 12)
    x = jax.random.normal(ks[0], (N, D_IN), dtype=jnp.float32)
    edge_index = jax.random.randint(ks[1], (2, E), 0, N, dtype=jnp.int32)
    s_in = 1.0 / np.sqrt(D_IN)
    s_h = 1.0 / np.sqrt(D_H)
    s_c = 1.0 / np.sqrt(D_H // 2)
    return {
        "x": x,
        "edge_index": edge_index,
        "W1l": jax.random.normal(ks[2], (D_IN, D_H), dtype=jnp.float32) * s_in,
        "b1": jnp.zeros((D_H,), dtype=jnp.float32),
        "W1r": jax.random.normal(ks[3], (D_IN, D_H), dtype=jnp.float32) * s_in,
        "W2l": jax.random.normal(ks[4], (D_H, D_H), dtype=jnp.float32) * s_h,
        "b2": jnp.zeros((D_H,), dtype=jnp.float32),
        "W2r": jax.random.normal(ks[5], (D_H, D_H), dtype=jnp.float32) * s_h,
        "Wc1": jax.random.normal(ks[6], (D_H, D_H // 2), dtype=jnp.float32) * s_h,
        "bc1": jnp.zeros((D_H // 2,), dtype=jnp.float32),
        "Wc2": jax.random.normal(ks[7], (D_H // 2, 1), dtype=jnp.float32) * s_c,
        "bc2": jnp.zeros((1,), dtype=jnp.float32),
    }


def reference(x, edge_index, W1l, b1, W1r, W2l, b2, W2r, Wc1, bc1, Wc2, bc2):
    src = edge_index[0]
    dst = edge_index[1]
    h = _sage_conv(x, src, dst, W1l, b1, W1r)
    h = jax.nn.relu(h)  # relu between layers (sage), dropout=0.0
    h = _sage_conv(h, src, dst, W2l, b2, W2r)
    c = jax.nn.relu(h @ Wc1 + bc1)
    logits = (c @ Wc2 + bc2).squeeze(-1)
    return logits

if __name__ == "__main__":
    import jax
    _d = setup_inputs()
    print(jax.jit(kernel)(*tuple(_d.values())))

</pallas_src>

<mosaic_0001>
#map = affine_map<(d0, d1) -> (0, 0, 0)>
#map1 = affine_map<(d0, d1) -> (0, 0)>
module attributes {stable_mosaic.version = 14 : i64} {
  func.func @body(%arg0: i32, %arg1: i32, %arg2: memref<32x50x200xi32, #tpu.memory_space<hbm>>, %arg3: memref<32x50x200xi32, #tpu.memory_space<hbm>>, %arg4: memref<10000x64xf32, #tpu.memory_space<hbm>>, %arg5: memref<2x10000x64xf32, #tpu.memory_space<hbm>>, %arg6: memref<2x1x10240xf32, #tpu.memory_space<hbm>>, %arg7: memref<50x200xi32, #tpu.memory_space<vmem>>, %arg8: memref<50x200xi32, #tpu.memory_space<vmem>>, %arg9: memref<200x64xf32, #tpu.memory_space<vmem>>, %arg10: memref<200x64xf32, #tpu.memory_space<vmem>>, %arg11: memref<10112x64xf32, #tpu.memory_space<vmem_shared>>, %arg12: memref<10000x64xf32, #tpu.memory_space<vmem_shared>>, %arg13: memref<!tpu.dma_semaphore, #tpu.memory_space<semaphore_mem>>, %arg14: memref<!tpu.dma_semaphore, #tpu.memory_space<semaphore_mem>>, %arg15: memref<208xf32, #tpu.memory_space<vmem>>, %arg16: memref<640xf32, #tpu.memory_space<vmem>>, %arg17: memref<10240xf32, #tpu.memory_space<vmem_shared>>, %arg18: memref<!tpu.dma_semaphore, #tpu.memory_space<semaphore_mem>>) attributes {dimension_semantics = [#tpu.dimension_semantics<core_parallel>, #tpu.dimension_semantics<subcore_parallel>], iteration_bounds = array<i64: 2, 16>, scalar_prefetch = 0 : i64, scratch_operands = 12 : i64, tpu.core_type = #tpu.core_type<sc_vector_subcore>, window_params = [{transform_indices = #map}, {transform_indices = #map}, {transform_indices = #map1}, {transform_indices = #map}, {transform_indices = #map}]} {
    %mul3A = arith.constant 2 : i32
    %mul3A_0 = arith.muli %arg1, %mul3A : i32
    %add3A = arith.addi %mul3A_0, %arg0 : i32
    %mul3A_1 = arith.constant 640 : i32
    %mul3A_2 = arith.muli %arg1, %mul3A_1 : i32
    %mul3A_3 = arith.constant 632 : i32
    %mul3A_4 = arith.muli %arg1, %mul3A_3 : i32
    %broadcast_in_dim3A = arith.constant 0.000000e+00 : f32
    %broadcast_in_dim3A_5 = vector.broadcast %broadcast_in_dim3A : f32 to vector<16xf32>
    %scan3A = arith.constant 0 : i32
    %scan3A_6 = arith.constant 0 : i32
    %scan3A_7 = arith.constant 79 : i32
    %scan3A_8 = arith.addi %scan3A_6, %scan3A_7 : i32
    %scan3A_9 = arith.constant 1 : i32
    %scan3A_10 = scf.for %scan3A_146 = %scan3A_6 to %scan3A_8 step %scan3A_9 iter_args(%scan3A_147 = %scan3A) -> (i32)  : i32 {
      %swap3A_148 = arith.index_cast %scan3A_146 : i32 to index
      %swap3A_149 = arith.constant 0 : index
      %swap3A_150 = tpu.vector_load %arg9[%swap3A_148, %swap3A_149] {strides = array<i32>} : memref<200x64xf32, #tpu.memory_space<vmem>>, vector<1x16xf32>,
      %swap3A_151 = vector.shape_cast %swap3A_150 : vector<1x16xf32> to vector<16xf32>
      %swap3A_152 = vector.shape_cast %broadcast_in_dim3A_5 : vector<16xf32> to vector<1x16xf32>
      tpu.vector_store %arg9[%swap3A_148, %swap3A_149], %swap3A_152 {strides = array<i32>} : memref<200x64xf32, #tpu.memory_space<vmem>>, vector<1x16xf32>,
      %swap3A_153 = arith.index_cast %scan3A_146 : i32 to index
      %swap3A_154 = arith.constant 16 : index
      %swap3A_155 = tpu.vector_load %arg9[%swap3A_153, %swap3A_154] {strides = array<i32>} : memref<200x64xf32, #tpu.memory_space<vmem>>, vector<1x16xf32>,
      %swap3A_156 = vector.shape_cast %swap3A_155 : vector<1x16xf32> to vector<16xf32>
      %swap3A_157 = vector.shape_cast %broadcast_in_dim3A_5 : vector<16xf32> to vector<1x16xf32>
      tpu.vector_store %arg9[%swap3A_153, %swap3A_154], %swap3A_157 {strides = array<i32>} : memref<200x64xf32, #tpu.memory_space<vmem>>, vector<1x16xf32>,
      %swap3A_158 = arith.index_cast %scan3A_146 : i32 to index
      %swap3A_159 = arith.constant 32 : index
      %swap3A_160 = tpu.vector_load %arg9[%swap3A_158, %swap3A_159] {strides = array<i32>} : memref<200x64xf32, #tpu.memory_space<vmem>>, vector<1x16xf32>,
      %swap3A_161 = vector.shape_cast %swap3A_160 : vector<1x16xf32> to vector<16xf32>
      %swap3A_162 = vector.shape_cast %broadcast_in_dim3A_5 : vector<16xf32> to vector<1x16xf32>
      tpu.vector_store %arg9[%swap3A_158, %swap3A_159], %swap3A_162 {strides = array<i32>} : memref<200x64xf32, #tpu.memory_space<vmem>>, vector<1x16xf32>,
      %swap3A_163 = arith.index_cast %scan3A_146 : i32 to index
      %swap3A_164 = arith.constant 48 : index
      %swap3A_165 = tpu.vector_load %arg9[%swap3A_163, %swap3A_164] {strides = array<i32>} : memref<200x64xf32, #tpu.memory_space<vmem>>, vector<1x16xf32>,
      %swap3A_166 = vector.shape_cast %swap3A_165 : vector<1x16xf32> to vector<16xf32>
      %swap3A_167 = vector.shape_cast %broadcast_in_dim3A_5 : vector<16xf32> to vector<1x16xf32>
      tpu.vector_store %arg9[%swap3A_163, %swap3A_164], %swap3A_167 {strides = array<i32>} : memref<200x64xf32, #tpu.memory_space<vmem>>, vector<1x16xf32>,
      %scan3A_168 = arith.constant 0 : i32
      scf.yield %scan3A_168 : i32
    }
    %scan3A_11 = arith.constant 79 : i32
    %scan3A_12 = arith.constant 0 : i32
    %scan3A_13 = arith.constant 0 : i32
    %scan3A_14 = arith.constant 8 : i32
    %scan3A_15 = arith.addi %scan3A_13, %scan3A_14 : i32
    %scan3A_16 = arith.constant 1 : i32
    %scan3A_17 = scf.for %scan3A_146 = %scan3A_13 to %scan3A_15 step %scan3A_16 iter_args(%scan3A_147 = %scan3A_12) -> (i32)  : i32 {
      %mul3A_148 = arith.constant 79 : i32
      %mul3A_149 = arith.muli %scan3A_146, %mul3A_148 : i32
      %add3A_150 = arith.addi %mul3A_4, %mul3A_149 : i32
      "tpu.region"() ({
        %run_scoped3A_152 = tpu.sem_alloc : memref<!tpu.dma_semaphore, #tpu.memory_space<semaphore_mem>>
        %dma_start3A_153 = arith.constant 0 : i32
        %dma_start3A_154 = arith.constant 0 : i32
        %dma_start3A_155 = tpu.memref_slice %arg9[%dma_start3A_153, %dma_start3A_154] : memref<200x64xf32, #tpu.memory_space<vmem>> -> memref<79x64xf32, #tpu.memory_space<vmem>>
        %dma_start3A_156 = arith.constant 0 : i32
        %dma_start3A_157 = tpu.memref_slice %arg11[%add3A_150, %dma_start3A_156] : memref<10112x64xf32, #tpu.memory_space<vmem_shared>> -> memref<79x64xf32, #tpu.memory_space<vmem_shared>>
        %dma_start3A_158 = arith.constant 0 : i32
        %dma_start3A_159 = tpu.memref_slice %arg11[%add3A_150, %dma_start3A_158] : memref<10112x64xf32, #tpu.memory_space<vmem_shared>> -> memref<79x64xf32, #tpu.memory_space<vmem_shared>>
        %dma_start3A_160 = arith.constant 0 : i32
        %dma_start3A_161 = arith.constant 0 : i32
        %dma_start3A_162 = tpu.memref_slice %arg9[%dma_start3A_160, %dma_start3A_161] : memref<200x64xf32, #tpu.memory_space<vmem>> -> memref<79x64xf32, #tpu.memory_space<vmem>>
        tpu.enqueue_dma source(%dma_start3A_162 : memref<79x64xf32, #tpu.memory_space<vmem>>) target(%dma_start3A_159 : memref<79x64xf32, #tpu.memory_space<vmem_shared>>) target_semaphore(%run_scoped3A_152 : memref<!tpu.dma_semaphore, #tpu.memory_space<semaphore_mem>>)
        %dma_wait3A = arith.constant 0 : i32
        %dma_wait3A_163 = arith.constant 0 : i32
        %dma_wait3A_164 = tpu.memref_slice %arg9[%dma_wait3A, %dma_wait3A_163] : memref<200x64xf32, #tpu.memory_space<vmem>> -> memref<79x64xf32, #tpu.memory_space<vmem>>
        %dma_wait3A_165 = arith.constant 0 : i32
        %dma_wait3A_166 = tpu.memref_slice %arg11[%add3A_150, %dma_wait3A_165] : memref<10112x64xf32, #tpu.memory_space<vmem_shared>> -> memref<79x64xf32, #tpu.memory_space<vmem_shared>>
        %dma_wait3A_167 = arith.constant 0 : i32
        %dma_wait3A_168 = tpu.memref_slice %arg11[%add3A_150, %dma_wait3A_167] : memref<10112x64xf32, #tpu.memory_space<vmem_shared>> -> memref<79x64xf32, #tpu.memory_space<vmem_shared>>
        %dma_wait3A_169 = arith.constant 0 : i32
        %dma_wait3A_170 = arith.constant 0 : i32
        %dma_wait3A_171 = tpu.memref_slice %arg9[%dma_wait3A_169, %dma_wait3A_170] : memref<200x64xf32, #tpu.memory_space<vmem>> -> memref<79x64xf32, #tpu.memory_space<vmem>>
        tpu.wait_dma2 semaphore(%run_scoped3A_152 : memref<!tpu.dma_semaphore, #tpu.memory_space<semaphore_mem>>) src(%dma_wait3A_171 : memref<79x64xf32, #tpu.memory_space<vmem>>) dst(%dma_wait3A_168 : memref<79x64xf32, #tpu.memory_space<vmem_shared>>)
        tpu.yield
      }) : () -> ()
      %scan3A_151 = arith.constant 0 : i32
      scf.yield %scan3A_151 : i32
    }
    %scan3A_18 = arith.constant 8 : i32
    %add3A_19 = arith.constant 1.000000e+00 : f32
    %add3A_20 = vector.broadcast %add3A_19 : f32 to vector<16xf32>
    %add3A_21 = arith.addf %broadcast_in_dim3A_5, %add3A_20 : vector<16xf32>
    %swap3A = arith.constant 0 : index
    %swap3A_22 = tpu.vector_load %arg15[%swap3A] {strides = array<i32>} : memref<208xf32, #tpu.memory_space<vmem>>, vector<16xf32>,
    %swap3A_23 = vector.shape_cast %swap3A_22 : vector<16xf32> to vector<16xf32>
    %swap3A_24 = vector.shape_cast %add3A_21 : vector<16xf32> to vector<16xf32>
    tpu.vector_store %arg15[%swap3A], %swap3A_24 {strides = array<i32>} : memref<208xf32, #tpu.memory_space<vmem>>, vector<16xf32>,
    %add3A_25 = arith.constant 1.000000e+00 : f32
    %add3A_26 = vector.broadcast %add3A_25 : f32 to vector<16xf32>
    %add3A_27 = arith.addf %broadcast_in_dim3A_5, %add3A_26 : vector<16xf32>
    %swap3A_28 = arith.constant 16 : index
    %swap3A_29 = tpu.vector_load %arg15[%swap3A_28] {strides = array<i32>} : memref<208xf32, #tpu.memory_space<vmem>>, vector<16xf32>,
    %swap3A_30 = vector.shape_cast %swap3A_29 : vector<16xf32> to vector<16xf32>
    %swap3A_31 = vector.shape_cast %add3A_27 : vector<16xf32> to vector<16xf32>
    tpu.vector_store %arg15[%swap3A_28], %swap3A_31 {strides = array<i32>} : memref<208xf32, #tpu.memory_space<vmem>>, vector<16xf32>,
    %add3A_32 = arith.constant 1.000000e+00 : f32
    %add3A_33 = vector.broadcast %add3A_32 : f32 to vector<16xf32>
    %add3A_34 = arith.addf %broadcast_in_dim3A_5, %add3A_33 : vector<16xf32>
    %swap3A_35 = arith.constant 32 : index
    %swap3A_36 = tpu.vector_load %arg15[%swap3A_35] {strides = array<i32>} : memref<208xf32, #tpu.memory_space<vmem>>, vector<16xf32>,
    %swap3A_37 = vector.shape_cast %swap3A_36 : vector<16xf32> to vector<16xf32>
    %swap3A_38 = vector.shape_cast %add3A_34 : vector<16xf32> to vector<16xf32>
    tpu.vector_store %arg15[%swap3A_35], %swap3A_38 {strides = array<i32>} : memref<208xf32, #tpu.memory_space<vmem>>, vector<16xf32>,
    %add3A_39 = arith.constant 1.000000e+00 : f32
    %add3A_40 = vector.broadcast %add3A_39 : f32 to vector<16xf32>
    %add3A_41 = arith.addf %broadcast_in_dim3A_5, %add3A_40 : vector<16xf32>
    %swap3A_42 = arith.constant 48 : index
    %swap3A_43 = tpu.vector_load %arg15[%swap3A_42] {strides = array<i32>} : memref<208xf32, #tpu.memory_space<vmem>>, vector<16xf32>,
    %swap3A_44 = vector.shape_cast %swap3A_43 : vector<16xf32> to vector<16xf32>
    %swap3A_45 = vector.shape_cast %add3A_41 : vector<16xf32> to vector<16xf32>
    tpu.vector_store %arg15[%swap3A_42], %swap3A_45 {strides = array<i32>} : memref<208xf32, #tpu.memory_space<vmem>>, vector<16xf32>,
    %add3A_46 = arith.constant 1.000000e+00 : f32
    %add3A_47 = vector.broadcast %add3A_46 : f32 to vector<16xf32>
    %add3A_48 = arith.addf %broadcast_in_dim3A_5, %add3A_47 : vector<16xf32>
    %swap3A_49 = arith.constant 64 : index
    %swap3A_50 = tpu.vector_load %arg15[%swap3A_49] {strides = array<i32>} : memref<208xf32, #tpu.memory_space<vmem>>, vector<16xf32>,
    %swap3A_51 = vector.shape_cast %swap3A_50 : vector<16xf32> to vector<16xf32>
    %swap3A_52 = vector.shape_cast %add3A_48 : vector<16xf32> to vector<16xf32>
    tpu.vector_store %arg15[%swap3A_49], %swap3A_52 {strides = array<i32>} : memref<208xf32, #tpu.memory_space<vmem>>, vector<16xf32>,
    %add3A_53 = arith.constant 1.000000e+00 : f32
    %add3A_54 = vector.broadcast %add3A_53 : f32 to vector<16xf32>
    %add3A_55 = arith.addf %broadcast_in_dim3A_5, %add3A_54 : vector<16xf32>
    %swap3A_56 = arith.constant 80 : index
    %swap3A_57 = tpu.vector_load %arg15[%swap3A_56] {strides = array<i32>} : memref<208xf32, #tpu.memory_space<vmem>>, vector<16xf32>,
    %swap3A_58 = vector.shape_cast %swap3A_57 : vector<16xf32> to vector<16xf32>
    %swap3A_59 = vector.shape_cast %add3A_55 : vector<16xf32> to vector<16xf32>
    tpu.vector_store %arg15[%swap3A_56], %swap3A_59 {strides = array<i32>} : memref<208xf32, #tpu.memory_space<vmem>>, vector<16xf32>,
    %add3A_60 = arith.constant 1.000000e+00 : f32
    %add3A_61 = vector.broadcast %add3A_60 : f32 to vector<16xf32>
    %add3A_62 = arith.addf %broadcast_in_dim3A_5, %add3A_61 : vector<16xf32>
    %swap3A_63 = arith.constant 96 : index
    %swap3A_64 = tpu.vector_load %arg15[%swap3A_63] {strides = array<i32>} : memref<208xf32, #tpu.memory_space<vmem>>, vector<16xf32>,
    %swap3A_65 = vector.shape_cast %swap3A_64 : vector<16xf32> to vector<16xf32>
    %swap3A_66 = vector.shape_cast %add3A_62 : vector<16xf32> to vector<16xf32>
    tpu.vector_store %arg15[%swap3A_63], %swap3A_66 {strides = array<i32>} : memref<208xf32, #tpu.memory_space<vmem>>, vector<16xf32>,
    %add3A_67 = arith.constant 1.000000e+00 : f32
    %add3A_68 = vector.broadcast %add3A_67 : f32 to vector<16xf32>
    %add3A_69 = arith.addf %broadcast_in_dim3A_5, %add3A_68 : vector<16xf32>
    %swap3A_70 = arith.constant 112 : index
    %swap3A_71 = tpu.vector_load %arg15[%swap3A_70] {strides = array<i32>} : memref<208xf32, #tpu.memory_space<vmem>>, vector<16xf32>,
    %swap3A_72 = vector.shape_cast %swap3A_71 : vector<16xf32> to vector<16xf32>
    %swap3A_73 = vector.shape_cast %add3A_69 : vector<16xf32> to vector<16xf32>
    tpu.vector_store %arg15[%swap3A_70], %swap3A_73 {strides = array<i32>} : memref<208xf32, #tpu.memory_space<vmem>>, vector<16xf32>,
    %add3A_74 = arith.constant 1.000000e+00 : f32
    %add3A_75 = vector.broadcast %add3A_74 : f32 to vector<16xf32>
    %add3A_76 = arith.addf %broadcast_in_dim3A_5, %add3A_75 : vector<16xf32>
    %swap3A_77 = arith.constant 128 : index
    %swap3A_78 = tpu.vector_load %arg15[%swap3A_77] {strides = array<i32>} : memref<208xf32, #tpu.memory_space<vmem>>, vector<16xf32>,
    %swap3A_79 = vector.shape_cast %swap3A_78 : vector<16xf32> to vector<16xf32>
    %swap3A_80 = vector.shape_cast %add3A_76 : vector<16xf32> to vector<16xf32>
    tpu.vector_store %arg15[%swap3A_77], %swap3A_80 {strides = array<i32>} : memref<208xf32, #tpu.memory_space<vmem>>, vector<16xf32>,
    %add3A_81 = arith.constant 1.000000e+00 : f32
    %add3A_82 = vector.broadcast %add3A_81 : f32 to vector<16xf32>
    %add3A_83 = arith.addf %broadcast_in_dim3A_5, %add3A_82 : vector<16xf32>
    %swap3A_84 = arith.constant 144 : index
    %swap3A_85 = tpu.vector_load %arg15[%swap3A_84] {strides = array<i32>} : memref<208xf32, #tpu.memory_space<vmem>>, vector<16xf32>,
    %swap3A_86 = vector.shape_cast %swap3A_85 : vector<16xf32> to vector<16xf32>
    %swap3A_87 = vector.shape_cast %add3A_83 : vector<16xf32> to vector<16xf32>
    tpu.vector_store %arg15[%swap3A_84], %swap3A_87 {strides = array<i32>} : memref<208xf32, #tpu.memory_space<vmem>>, vector<16xf32>,
    %add3A_88 = arith.constant 1.000000e+00 : f32
    %add3A_89 = vector.broadcast %add3A_88 : f32 to vector<16xf32>
    %add3A_90 = arith.addf %broadcast_in_dim3A_5, %add3A_89 : vector<16xf32>
    %swap3A_91 = arith.constant 160 : index
    %swap3A_92 = tpu.vector_load %arg15[%swap3A_91] {strides = array<i32>} : memref<208xf32, #tpu.memory_space<vmem>>, vector<16xf32>,
    %swap3A_93 = vector.shape_cast %swap3A_92 : vector<16xf32> to vector<16xf32>
    %swap3A_94 = vector.shape_cast %add3A_90 : vector<16xf32> to vector<16xf32>
    tpu.vector_store %arg15[%swap3A_91], %swap3A_94 {strides = array<i32>} : memref<208xf32, #tpu.memory_space<vmem>>, vector<16xf32>,
    %add3A_95 = arith.constant 1.000000e+00 : f32
    %add3A_96 = vector.broadcast %add3A_95 : f32 to vector<16xf32>
    %add3A_97 = arith.addf %broadcast_in_dim3A_5, %add3A_96 : vector<16xf32>
    %swap3A_98 = arith.constant 176 : index
    %swap3A_99 = tpu.vector_load %arg15[%swap3A_98] {strides = array<i32>} : memref<208xf32, #tpu.memory_space<vmem>>, vector<16xf32>,
    %swap3A_100 = vector.shape_cast %swap3A_99 : vector<16xf32> to vector<16xf32>
    %swap3A_101 = vector.shape_cast %add3A_97 : vector<16xf32> to vector<16xf32>
    tpu.vector_store %arg15[%swap3A_98], %swap3A_101 {strides = array<i32>} : memref<208xf32, #tpu.memory_space<vmem>>, vector<16xf32>,
    %add3A_102 = arith.constant 1.000000e+00 : f32
    %add3A_103 = vector.broadcast %add3A_102 : f32 to vector<16xf32>
    %add3A_104 = arith.addf %broadcast_in_dim3A_5, %add3A_103 : vector<16xf32>
    %swap3A_105 = arith.constant 192 : index
    %swap3A_106 = tpu.vector_load %arg15[%swap3A_105] {strides = array<i32>} : memref<208xf32, #tpu.memory_space<vmem>>, vector<16xf32>,
    %swap3A_107 = vector.shape_cast %swap3A_106 : vector<16xf32> to vector<16xf32>
    %swap3A_108 = vector.shape_cast %add3A_104 : vector<16xf32> to vector<16xf32>
    tpu.vector_store %arg15[%swap3A_105], %swap3A_108 {strides = array<i32>} : memref<208xf32, #tpu.memory_space<vmem>>, vector<16xf32>,
    %scan3A_109 = arith.constant 0 : i32
    %scan3A_110 = arith.constant 0 : i32
    %scan3A_111 = arith.constant 40 : i32
    %scan3A_112 = arith.addi %scan3A_110, %scan3A_111 : i32
    %scan3A_113 = arith.constant 1 : i32
    %scan3A_114 = scf.for %scan3A_146 = %scan3A_110 to %scan3A_112 step %scan3A_113 iter_args(%scan3A_147 = %scan3A_109) -> (i32)  : i32 {
      %mul3A_148 = arith.constant 16 : i32
      %mul3A_149 = arith.muli %scan3A_146, %mul3A_148 : i32
      %swap3A_150 = arith.index_cast %mul3A_149 : i32 to index
      %swap3A_151 = tpu.vector_load %arg16[%swap3A_150] {strides = array<i32>} : memref<640xf32, #tpu.memory_space<vmem>>, vector<16xf32>,
      %swap3A_152 = vector.shape_cast %swap3A_151 : vector<16xf32> to vector<16xf32>
      %swap3A_153 = vector.shape_cast %broadcast_in_dim3A_5 : vector<16xf32> to vector<16xf32>
      tpu.vector_store %arg16[%swap3A_150], %swap3A_153 {strides = array<i32>} : memref<640xf32, #tpu.memory_space<vmem>>, vector<16xf32>,
      %scan3A_154 = arith.constant 0 : i32
      scf.yield %scan3A_154 : i32
    }
    %scan3A_115 = arith.constant 40 : i32
    "tpu.region"() ({
      %run_scoped3A_146 = tpu.sem_alloc : memref<!tpu.dma_semaphore, #tpu.memory_space<semaphore_mem>>
      %dma_start3A_147 = tpu.memref_slice %arg17[%mul3A_2] : memref<10240xf32, #tpu.memory_space<vmem_shared>> -> memref<640xf32, #tpu.memory_space<vmem_shared>>
      %dma_start3A_148 = tpu.memref_slice %arg17[%mul3A_2] : memref<10240xf32, #tpu.memory_space<vmem_shared>> -> memref<640xf32, #tpu.memory_space<vmem_shared>>
      tpu.enqueue_dma source(%arg16 : memref<640xf32, #tpu.memory_space<vmem>>) target(%dma_start3A_148 : memref<640xf32, #tpu.memory_space<vmem_shared>>) target_semaphore(%run_scoped3A_146 : memref<!tpu.dma_semaphore, #tpu.memory_space<semaphore_mem>>)
      %dma_wait3A = tpu.memref_slice %arg17[%mul3A_2] : memref<10240xf32, #tpu.memory_space<vmem_shared>> -> memref<640xf32, #tpu.memory_space<vmem_shared>>
      %dma_wait3A_149 = tpu.memref_slice %arg17[%mul3A_2] : memref<10240xf32, #tpu.memory_space<vmem_shared>> -> memref<640xf32, #tpu.memory_space<vmem_shared>>
      tpu.wait_dma2 semaphore(%run_scoped3A_146 : memref<!tpu.dma_semaphore, #tpu.memory_space<semaphore_mem>>) src(%arg16 : memref<640xf32, #tpu.memory_space<vmem>>) dst(%dma_wait3A_149 : memref<640xf32, #tpu.memory_space<vmem_shared>>)
      tpu.yield
    }) : () -> ()
    "tpu.region"() ({
      %run_scoped3A_146 = tpu.sem_alloc : memref<!tpu.dma_semaphore, #tpu.memory_space<semaphore_mem>>
      %dma_start3A_147 = arith.constant 0 : i32
      %dma_start3A_148 = arith.constant 0 : i32
      %dma_start3A_149 = tpu.memref_slice %arg2[%add3A, %dma_start3A_147, %dma_start3A_148] : memref<32x50x200xi32, #tpu.memory_space<hbm>> -> memref<1x50x200xi32, #tpu.memory_space<hbm>>
      %dma_start3A_150 = tpu.memref_squeeze %dma_start3A_149 : memref<1x50x200xi32, #tpu.memory_space<hbm>> -> memref<50x200xi32, #tpu.memory_space<hbm>>
      %dma_start3A_151 = arith.constant 0 : i32
      %dma_start3A_152 = arith.constant 0 : i32
      %dma_start3A_153 = tpu.memref_slice %arg2[%add3A, %dma_start3A_151, %dma_start3A_152] : memref<32x50x200xi32, #tpu.memory_space<hbm>> -> memref<1x50x200xi32, #tpu.memory_space<hbm>>
      %dma_start3A_154 = tpu.memref_squeeze %dma_start3A_153 : memref<1x50x200xi32, #tpu.memory_space<hbm>> -> memref<50x200xi32, #tpu.memory_space<hbm>>
      tpu.enqueue_dma source(%dma_start3A_154 : memref<50x200xi32, #tpu.memory_space<hbm>>) target(%arg7 : memref<50x200xi32, #tpu.memory_space<vmem>>) target_semaphore(%run_scoped3A_146 : memref<!tpu.dma_semaphore, #tpu.memory_space<semaphore_mem>>)
      %dma_wait3A = arith.constant 0 : i32
      %dma_wait3A_155 = arith.constant 0 : i32
      %dma_wait3A_156 = tpu.memref_slice %arg2[%add3A, %dma_wait3A, %dma_wait3A_155] : memref<32x50x200xi32, #tpu.memory_space<hbm>> -> memref<1x50x200xi32, #tpu.memory_space<hbm>>
      %dma_wait3A_157 = tpu.memref_squeeze %dma_wait3A_156 : memref<1x50x200xi32, #tpu.memory_space<hbm>> -> memref<50x200xi32, #tpu.memory_space<hbm>>
      %dma_wait3A_158 = arith.constant 0 : i32
      %dma_wait3A_159 = arith.constant 0 : i32
      %dma_wait3A_160 = tpu.memref_slice %arg2[%add3A, %dma_wait3A_158, %dma_wait3A_159] : memref<32x50x200xi32, #tpu.memory_space<hbm>> -> memref<1x50x200xi32, #tpu.memory_space<hbm>>
      %dma_wait3A_161 = tpu.memref_squeeze %dma_wait3A_160 : memref<1x50x200xi32, #tpu.memory_space<hbm>> -> memref<50x200xi32, #tpu.memory_space<hbm>>
      tpu.wait_dma2 semaphore(%run_scoped3A_146 : memref<!tpu.dma_semaphore, #tpu.memory_space<semaphore_mem>>) src(%dma_wait3A_161 : memref<50x200xi32, #tpu.memory_space<hbm>>) dst(%arg7 : memref<50x200xi32, #tpu.memory_space<vmem>>)
      tpu.yield
    }) : () -> ()
    "tpu.region"() ({
      %run_scoped3A_146 = tpu.sem_alloc : memref<!tpu.dma_semaphore, #tpu.memory_space<semaphore_mem>>
      %dma_start3A_147 = arith.constant 0 : i32
      %dma_start3A_148 = arith.constant 0 : i32
      %dma_start3A_149 = tpu.memref_slice %arg3[%add3A, %dma_start3A_147, %dma_start3A_148] : memref<32x50x200xi32, #tpu.memory_space<hbm>> -> memref<1x50x200xi32, #tpu.memory_space<hbm>>
      %dma_start3A_150 = tpu.memref_squeeze %dma_start3A_149 : memref<1x50x200xi32, #tpu.memory_space<hbm>> -> memref<50x200xi32, #tpu.memory_space<hbm>>
      %dma_start3A_151 = arith.constant 0 : i32
      %dma_start3A_152 = arith.constant 0 : i32
      %dma_start3A_153 = tpu.memref_slice %arg3[%add3A, %dma_start3A_151, %dma_start3A_152] : memref<32x50x200xi32, #tpu.memory_space<hbm>> -> memref<1x50x200xi32, #tpu.memory_space<hbm>>
      %dma_start3A_154 = tpu.memref_squeeze %dma_start3A_153 : memref<1x50x200xi32, #tpu.memory_space<hbm>> -> memref<50x200xi32, #tpu.memory_space<hbm>>
      tpu.enqueue_dma source(%dma_start3A_154 : memref<50x200xi32, #tpu.memory_space<hbm>>) target(%arg8 : memref<50x200xi32, #tpu.memory_space<vmem>>) target_semaphore(%run_scoped3A_146 : memref<!tpu.dma_semaphore, #tpu.memory_space<semaphore_mem>>)
      %dma_wait3A = arith.constant 0 : i32
      %dma_wait3A_155 = arith.constant 0 : i32
      %dma_wait3A_156 = tpu.memref_slice %arg3[%add3A, %dma_wait3A, %dma_wait3A_155] : memref<32x50x200xi32, #tpu.memory_space<hbm>> -> memref<1x50x200xi32, #tpu.memory_space<hbm>>
      %dma_wait3A_157 = tpu.memref_squeeze %dma_wait3A_156 : memref<1x50x200xi32, #tpu.memory_space<hbm>> -> memref<50x200xi32, #tpu.memory_space<hbm>>
      %dma_wait3A_158 = arith.constant 0 : i32
      %dma_wait3A_159 = arith.constant 0 : i32
      %dma_wait3A_160 = tpu.memref_slice %arg3[%add3A, %dma_wait3A_158, %dma_wait3A_159] : memref<32x50x200xi32, #tpu.memory_space<hbm>> -> memref<1x50x200xi32, #tpu.memory_space<hbm>>
      %dma_wait3A_161 = tpu.memref_squeeze %dma_wait3A_160 : memref<1x50x200xi32, #tpu.memory_space<hbm>> -> memref<50x200xi32, #tpu.memory_space<hbm>>
      tpu.wait_dma2 semaphore(%run_scoped3A_146 : memref<!tpu.dma_semaphore, #tpu.memory_space<semaphore_mem>>) src(%dma_wait3A_161 : memref<50x200xi32, #tpu.memory_space<hbm>>) dst(%arg8 : memref<50x200xi32, #tpu.memory_space<vmem>>)
      tpu.yield
    }) : () -> ()
    %lt3A = arith.constant 15 : i32
    %lt3A_116 = arith.cmpi slt, %arg1, %lt3A : i32
    %convert_element_type3A = arith.extui %lt3A_116 : i1 to i32
    %cond3A = arith.constant 0 : i32
    %cond3A_117 = arith.cmpi ne, %convert_element_type3A, %cond3A : i32
    scf.if %cond3A_117 {
      "tpu.region"() ({
        %run_scoped3A_146 = tpu.sem_alloc : memref<!tpu.dma_semaphore, #tpu.memory_space<semaphore_mem>>
        %dma_start3A_147 = arith.constant 0 : i32
        %dma_start3A_148 = tpu.memref_slice %arg12[%mul3A_2, %dma_start3A_147] : memref<10000x64xf32, #tpu.memory_space<vmem_shared>> -> memref<640x64xf32, #tpu.memory_space<vmem_shared>>
        %dma_start3A_149 = arith.constant 0 : i32
        %dma_start3A_150 = tpu.memref_slice %arg4[%mul3A_2, %dma_start3A_149] : memref<10000x64xf32, #tpu.memory_space<hbm>> -> memref<640x64xf32, #tpu.memory_space<hbm>>
        tpu.enqueue_dma source(%dma_start3A_150 : memref<640x64xf32, #tpu.memory_space<hbm>>) target(%dma_start3A_148 : memref<640x64xf32, #tpu.memory_space<vmem_shared>>) target_semaphore(%run_scoped3A_146 : memref<!tpu.dma_semaphore, #tpu.memory_space<semaphore_mem>>)
        %dma_wait3A = arith.constant 0 : i32
        %dma_wait3A_151 = tpu.memref_slice %arg12[%mul3A_2, %dma_wait3A] : memref<10000x64xf32, #tpu.memory_space<vmem_shared>> -> memref<640x64xf32, #tpu.memory_space<vmem_shared>>
        %dma_wait3A_152 = arith.constant 0 : i32
        %dma_wait3A_153 = tpu.memref_slice %arg4[%mul3A_2, %dma_wait3A_152] : memref<10000x64xf32, #tpu.memory_space<hbm>> -> memref<640x64xf32, #tpu.memory_space<hbm>>
        tpu.wait_dma2 semaphore(%run_scoped3A_146 : memref<!tpu.dma_semaphore, #tpu.memory_space<semaphore_mem>>) src(%dma_wait3A_153 : memref<640x64xf32, #tpu.memory_space<hbm>>) dst(%dma_wait3A_151 : memref<640x64xf32, #tpu.memory_space<vmem_shared>>)
        tpu.yield
      }) : () -> ()
    } else {
    }
    %eq3A = arith.constant 15 : i32
    %eq3A_118 = arith.cmpi eq, %arg1, %eq3A : i32
    %convert_element_type3A_119 = arith.extui %eq3A_118 : i1 to i32
    %cond3A_120 = arith.constant 0 : i32
    %cond3A_121 = arith.cmpi ne, %convert_element_type3A_119, %cond3A_120 : i32
    scf.if %cond3A_121 {
      "tpu.region"() ({
        %run_scoped3A_146 = tpu.sem_alloc : memref<!tpu.dma_semaphore, #tpu.memory_space<semaphore_mem>>
        %dma_start3A_147 = arith.constant 0 : i32
        %dma_start3A_148 = tpu.memref_slice %arg12[%mul3A_2, %dma_start3A_147] : memref<10000x64xf32, #tpu.memory_space<vmem_shared>> -> memref<400x64xf32, #tpu.memory_space<vmem_shared>>
        %dma_start3A_149 = arith.constant 0 : i32
        %dma_start3A_150 = tpu.memref_slice %arg4[%mul3A_2, %dma_start3A_149] : memref<10000x64xf32, #tpu.memory_space<hbm>> -> memref<400x64xf32, #tpu.memory_space<hbm>>
        tpu.enqueue_dma source(%dma_start3A_150 : memref<400x64xf32, #tpu.memory_space<hbm>>) target(%dma_start3A_148 : memref<400x64xf32, #tpu.memory_space<vmem_shared>>) target_semaphore(%run_scoped3A_146 : memref<!tpu.dma_semaphore, #tpu.memory_space<semaphore_mem>>)
        %dma_wait3A = arith.constant 0 : i32
        %dma_wait3A_151 = tpu.memref_slice %arg12[%mul3A_2, %dma_wait3A] : memref<10000x64xf32, #tpu.memory_space<vmem_shared>> -> memref<400x64xf32, #tpu.memory_space<vmem_shared>>
        %dma_wait3A_152 = arith.constant 0 : i32
        %dma_wait3A_153 = tpu.memref_slice %arg4[%mul3A_2, %dma_wait3A_152] : memref<10000x64xf32, #tpu.memory_space<hbm>> -> memref<400x64xf32, #tpu.memory_space<hbm>>
        tpu.wait_dma2 semaphore(%run_scoped3A_146 : memref<!tpu.dma_semaphore, #tpu.memory_space<semaphore_mem>>) src(%dma_wait3A_153 : memref<400x64xf32, #tpu.memory_space<hbm>>) dst(%dma_wait3A_151 : memref<400x64xf32, #tpu.memory_space<vmem_shared>>)
        tpu.yield
      }) : () -> ()
    } else {
    }
    %barrier3A = arith.constant 0 : index
    tpu.barrier barrier_id(%barrier3A)
    %dma_start3A = arith.constant 0 : i32
    %dma_start3A_122 = arith.constant 0 : i32
    %dma_start3A_123 = tpu.memref_slice %arg7[%dma_start3A, %dma_start3A_122] : memref<50x200xi32, #tpu.memory_space<vmem>> -> memref<1x200xi32, #tpu.memory_space<vmem>>
    %dma_start3A_124 = tpu.memref_squeeze %dma_start3A_123 : memref<1x200xi32, #tpu.memory_space<vmem>> -> memref<200xi32, #tpu.memory_space<vmem>>
    %dma_start3A_125 = arith.constant 0 : i32
    %dma_start3A_126 = arith.constant 0 : i32
    %dma_start3A_127 = tpu.memref_slice %arg12[%dma_start3A_125, %dma_start3A_126] : memref<10000x64xf32, #tpu.memory_space<vmem_shared>> -> memref<10000x64xf32, #tpu.memory_space<vmem_shared>>
    tpu.enqueue_indirect_dma source(%dma_start3A_127 : memref<10000x64xf32, #tpu.memory_space<vmem_shared>>) target(%arg9 : memref<200x64xf32, #tpu.memory_space<vmem>>) offsets(%dma_start3A_124 : memref<200xi32, #tpu.memory_space<vmem>>) semaphore(%arg13 : memref<!tpu.dma_semaphore, #tpu.memory_space<semaphore_mem>>)
    %scan3A_128 = arith.constant 0 : i32
    %scan3A_129 = arith.constant 0 : i32
    %scan3A_130 = arith.constant 25 : i32
    %scan3A_131 = arith.addi %scan3A_129, %scan3A_130 : i32
    %scan3A_132 = arith.constant 1 : i32
    %scan3A_133 = scf.for %scan3A_146 = %scan3A_129 to %scan3A_131 step %scan3A_132 iter_args(%scan3A_147 = %scan3A_128) -> (i32)  : i32 {
      %mul3A_148 = arith.constant 2 : i32
      %mul3A_149 = arith.muli %mul3A_148, %scan3A_146 : i32
      %add3A_150 = arith.constant 1 : i32
      %add3A_151 = arith.addi %mul3A_149, %add3A_150 : i32
      %dma_start3A_152 = arith.constant 0 : i32
      %dma_start3A_153 = tpu.memref_slice %arg7[%add3A_151, %dma_start3A_152] : memref<50x200xi32, #tpu.memory_space<vmem>> -> memref<1x200xi32, #tpu.memory_space<vmem>>
      %dma_start3A_154 = tpu.memref_squeeze %dma_start3A_153 : memref<1x200xi32, #tpu.memory_space<vmem>> -> memref<200xi32, #tpu.memory_space<vmem>>
      %dma_start3A_155 = arith.constant 0 : i32
      %dma_start3A_156 = arith.constant 0 : i32
      %dma_start3A_157 = tpu.memref_slice %arg12[%dma_start3A_155, %dma_start3A_156] : memref<10000x64xf32, #tpu.memory_space<vmem_shared>> -> memref<10000x64xf32, #tpu.memory_space<vmem_shared>>
      tpu.enqueue_indirect_dma source(%dma_start3A_157 : memref<10000x64xf32, #tpu.memory_space<vmem_shared>>) target(%arg10 : memref<200x64xf32, #tpu.memory_space<vmem>>) offsets(%dma_start3A_154 : memref<200xi32, #tpu.memory_space<vmem>>) semaphore(%arg14 : memref<!tpu.dma_semaphore, #tpu.memory_space<semaphore_mem>>)
      %dma_wait3A = arith.constant 0 : i32
      %dma_wait3A_158 = tpu.memref_slice %arg7[%mul3A_149, %dma_wait3A] : memref<50x200xi32, #tpu.memory_space<vmem>> -> memref<1x200xi32, #tpu.memory_space<vmem>>
      %dma_wait3A_159 = tpu.memref_squeeze %dma_wait3A_158 : memref<1x200xi32, #tpu.memory_space<vmem>> -> memref<200xi32, #tpu.memory_space<vmem>>
      %dma_wait3A_160 = arith.constant 0 : i32
      %dma_wait3A_161 = arith.constant 0 : i32
      %dma_wait3A_162 = tpu.memref_slice %arg12[%dma_wait3A_160, %dma_wait3A_161] : memref<10000x64xf32, #tpu.memory_space<vmem_shared>> -> memref<10000x64xf32, #tpu.memory_space<vmem_shared>>
      tpu.wait_indirect_dma semaphore(%arg13 : memref<!tpu.dma_semaphore, #tpu.memory_space<semaphore_mem>>) src(%dma_wait3A_162 : memref<10000x64xf32, #tpu.memory_space<vmem_shared>>) dst(%arg9 : memref<200x64xf32, #tpu.memory_space<vmem>>)
      %dma_start3A_163 = arith.constant 0 : i32
      %dma_start3A_164 = tpu.memref_slice %arg15[%dma_start3A_163] : memref<208xf32, #tpu.memory_space<vmem>> -> memref<200xf32, #tpu.memory_space<vmem>>
      %dma_start3A_165 = arith.constant 0 : i32
      %dma_start3A_166 = tpu.memref_slice %arg8[%mul3A_149, %dma_start3A_165] : memref<50x200xi32, #tpu.memory_space<vmem>> -> memref<1x200xi32, #tpu.memory_space<vmem>>
      %dma_start3A_167 = tpu.memref_squeeze %dma_start3A_166 : memref<1x200xi32, #tpu.memory_space<vmem>> -> memref<200xi32, #tpu.memory_space<vmem>>
      %dma_start3A_168 = arith.constant 0 : i32
      %dma_start3A_169 = tpu.memref_slice %arg17[%dma_start3A_168] : memref<10240xf32, #tpu.memory_space<vmem_shared>> -> memref<10240xf32, #tpu.memory_space<vmem_shared>>
      tpu.enqueue_indirect_dma source(%dma_start3A_164 : memref<200xf32, #tpu.memory_space<vmem>>) target(%dma_start3A_169 : memref<10240xf32, #tpu.memory_space<vmem_shared>>) offsets(%dma_start3A_167 : memref<200xi32, #tpu.memory_space<vmem>>) semaphore(%arg18 : memref<!tpu.dma_semaphore, #tpu.memory_space<semaphore_mem>>) {add = true}
      "tpu.region"() ({
        %run_scoped3A_209 = tpu.sem_alloc : memref<!tpu.dma_semaphore, #tpu.memory_space<semaphore_mem>>
        %dma_start3A_210 = arith.constant 0 : i32
        %dma_start3A_211 = tpu.memref_slice %arg8[%mul3A_149, %dma_start3A_210] : memref<50x200xi32, #tpu.memory_space<vmem>> -> memref<1x200xi32, #tpu.memory_space<vmem>>
        %dma_start3A_212 = tpu.memref_squeeze %dma_start3A_211 : memref<1x200xi32, #tpu.memory_space<vmem>> -> memref<200xi32, #tpu.memory_space<vmem>>
        %dma_start3A_213 = arith.constant 0 : i32
        %dma_start3A_214 = arith.constant 0 : i32
        %dma_start3A_215 = tpu.memref_slice %arg11[%dma_start3A_213, %dma_start3A_214] : memref<10112x64xf32, #tpu.memory_space<vmem_shared>> -> memref<10112x64xf32, #tpu.memory_space<vmem_shared>>
        tpu.enqueue_indirect_dma source(%arg9 : memref<200x64xf32, #tpu.memory_space<vmem>>) target(%dma_start3A_215 : memref<10112x64xf32, #tpu.memory_space<vmem_shared>>) offsets(%dma_start3A_212 : memref<200xi32, #tpu.memory_space<vmem>>) semaphore(%run_scoped3A_209 : memref<!tpu.dma_semaphore, #tpu.memory_space<semaphore_mem>>) {add = true}
        %dma_wait3A_216 = arith.constant 0 : i32
        %dma_wait3A_217 = tpu.memref_slice %arg8[%mul3A_149, %dma_wait3A_216] : memref<50x200xi32, #tpu.memory_space<vmem>> -> memref<1x200xi32, #tpu.memory_space<vmem>>
        %dma_wait3A_218 = tpu.memref_squeeze %dma_wait3A_217 : memref<1x200xi32, #tpu.memory_space<vmem>> -> memref<200xi32, #tpu.memory_space<vmem>>
        %dma_wait3A_219 = arith.constant 0 : i32
        %dma_wait3A_220 = arith.constant 0 : i32
        %dma_wait3A_221 = tpu.memref_slice %arg11[%dma_wait3A_219, %dma_wait3A_220] : memref<10112x64xf32, #tpu.memory_space<vmem_shared>> -> memref<10112x64xf32, #tpu.memory_space<vmem_shared>>
        tpu.wait_indirect_dma semaphore(%run_scoped3A_209 : memref<!tpu.dma_semaphore, #tpu.memory_space<semaphore_mem>>) src(%arg9 : memref<200x64xf32, #tpu.memory_space<vmem>>) dst(%dma_wait3A_221 : memref<10112x64xf32, #tpu.memory_space<vmem_shared>>)
        tpu.yield
      }) : () -> ()
      %add3A_170 = arith.constant 2 : i32
      %add3A_171 = arith.addi %mul3A_149, %add3A_170 : i32
      %lt3A_172 = arith.constant 50 : i32
      %lt3A_173 = arith.cmpi slt, %add3A_171, %lt3A_172 : i32
      %convert_element_type3A_174 = arith.extui %lt3A_173 : i1 to i32
      %cond3A_175 = arith.constant 0 : i32
      %cond3A_176 = arith.cmpi ne, %convert_element_type3A_174, %cond3A_175 : i32
      scf.if %cond3A_176 {
        %add3A_209 = arith.constant 2 : i32
        %add3A_210 = arith.addi %mul3A_149, %add3A_209 : i32
        %dma_start3A_211 = arith.constant 0 : i32
        %dma_start3A_212 = tpu.memref_slice %arg7[%add3A_210, %dma_start3A_211] : memref<50x200xi32, #tpu.memory_space<vmem>> -> memref<1x200xi32, #tpu.memory_space<vmem>>
        %dma_start3A_213 = tpu.memref_squeeze %dma_start3A_212 : memref<1x200xi32, #tpu.memory_space<vmem>> -> memref<200xi32, #tpu.memory_space<vmem>>
        %dma_start3A_214 = arith.constant 0 : i32
        %dma_start3A_215 = arith.constant 0 : i32
        %dma_start3A_216 = tpu.memref_slice %arg12[%dma_start3A_214, %dma_start3A_215] : memref<10000x64xf32, #tpu.memory_space<vmem_shared>> -> memref<10000x64xf32, #tpu.memory_space<vmem_shared>>
        tpu.enqueue_indirect_dma source(%dma_start3A_216 : memref<10000x64xf32, #tpu.memory_space<vmem_shared>>) target(%arg9 : memref<200x64xf32, #tpu.memory_space<vmem>>) offsets(%dma_start3A_213 : memref<200xi32, #tpu.memory_space<vmem>>) semaphore(%arg13 : memref<!tpu.dma_semaphore, #tpu.memory_space<semaphore_mem>>)
      } else {
      }
      %dma_wait3A_177 = arith.constant 0 : i32
      %dma_wait3A_178 = tpu.memref_slice %arg7[%add3A_151, %dma_wait3A_177] : memref<50x200xi32, #tpu.memory_space<vmem>> -> memref<1x200xi32, #tpu.memory_space<vmem>>
      %dma_wait3A_179 = tpu.memref_squeeze %dma_wait3A_178 : memref<1x200xi32, #tpu.memory_space<vmem>> -> memref<200xi32, #tpu.memory_space<vmem>>
      %dma_wait3A_180 = arith.constant 0 : i32
      %dma_wait3A_181 = arith.constant 0 : i32
      %dma_wait3A_182 = tpu.memref_slice %arg12[%dma_wait3A_180, %dma_wait3A_181] : memref<10000x64xf32, #tpu.memory_space<vmem_shared>> -> memref<10000x64xf32, #tpu.memory_space<vmem_shared>>
      tpu.wait_indirect_dma semaphore(%arg14 : memref<!tpu.dma_semaphore, #tpu.memory_space<semaphore_mem>>) src(%dma_wait3A_182 : memref<10000x64xf32, #tpu.memory_space<vmem_shared>>) dst(%arg10 : memref<200x64xf32, #tpu.memory_space<vmem>>)
      %add3A_183 = arith.constant 1 : i32
      %add3A_184 = arith.addi %mul3A_149, %add3A_183 : i32
      %dma_start3A_185 = arith.constant 0 : i32
      %dma_start3A_186 = tpu.memref_slice %arg15[%dma_start3A_185] : memref<208xf32, #tpu.memory_space<vmem>> -> memref<200xf32, #tpu.memory_space<vmem>>
      %dma_start3A_187 = arith.constant 0 : i32
      %dma_start3A_188 = tpu.memref_slice %arg8[%add3A_184, %dma_start3A_187] : memref<50x200xi32, #tpu.memory_space<vmem>> -> memref<1x200xi32, #tpu.memory_space<vmem>>
      %dma_start3A_189 = tpu.memref_squeeze %dma_start3A_188 : memref<1x200xi32, #tpu.memory_space<vmem>> -> memref<200xi32, #tpu.memory_space<vmem>>
      %dma_start3A_190 = arith.constant 0 : i32
      %dma_start3A_191 = tpu.memref_slice %arg17[%dma_start3A_190] : memref<10240xf32, #tpu.memory_space<vmem_shared>> -> memref<10240xf32, #tpu.memory_space<vmem_shared>>
      tpu.enqueue_indirect_dma source(%dma_start3A_186 : memref<200xf32, #tpu.memory_space<vmem>>) target(%dma_start3A_191 : memref<10240xf32, #tpu.memory_space<vmem_shared>>) offsets(%dma_start3A_189 : memref<200xi32, #tpu.memory_space<vmem>>) semaphore(%arg18 : memref<!tpu.dma_semaphore, #tpu.memory_space<semaphore_mem>>) {add = true}
      %add3A_192 = arith.constant 1 : i32
      %add3A_193 = arith.addi %mul3A_149, %add3A_192 : i32
      "tpu.region"() ({
        %run_scoped3A_209 = tpu.sem_alloc : memref<!tpu.dma_semaphore, #tpu.memory_space<semaphore_mem>>
        %dma_start3A_210 = arith.constant 0 : i32
        %dma_start3A_211 = tpu.memref_slice %arg8[%add3A_193, %dma_start3A_210] : memref<50x200xi32, #tpu.memory_space<vmem>> -> memref<1x200xi32, #tpu.memory_space<vmem>>
        %dma_start3A_212 = tpu.memref_squeeze %dma_start3A_211 : memref<1x200xi32, #tpu.memory_space<vmem>> -> memref<200xi32, #tpu.memory_space<vmem>>
        %dma_start3A_213 = arith.constant 0 : i32
        %dma_start3A_214 = arith.constant 0 : i32
        %dma_start3A_215 = tpu.memref_slice %arg11[%dma_start3A_213, %dma_start3A_214] : memref<10112x64xf32, #tpu.memory_space<vmem_shared>> -> memref<10112x64xf32, #tpu.memory_space<vmem_shared>>
        tpu.enqueue_indirect_dma source(%arg10 : memref<200x64xf32, #tpu.memory_space<vmem>>) target(%dma_start3A_215 : memref<10112x64xf32, #tpu.memory_space<vmem_shared>>) offsets(%dma_start3A_212 : memref<200xi32, #tpu.memory_space<vmem>>) semaphore(%run_scoped3A_209 : memref<!tpu.dma_semaphore, #tpu.memory_space<semaphore_mem>>) {add = true}
        %dma_wait3A_216 = arith.constant 0 : i32
        %dma_wait3A_217 = tpu.memref_slice %arg8[%add3A_193, %dma_wait3A_216] : memref<50x200xi32, #tpu.memory_space<vmem>> -> memref<1x200xi32, #tpu.memory_space<vmem>>
        %dma_wait3A_218 = tpu.memref_squeeze %dma_wait3A_217 : memref<1x200xi32, #tpu.memory_space<vmem>> -> memref<200xi32, #tpu.memory_space<vmem>>
        %dma_wait3A_219 = arith.constant 0 : i32
        %dma_wait3A_220 = arith.constant 0 : i32
        %dma_wait3A_221 = tpu.memref_slice %arg11[%dma_wait3A_219, %dma_wait3A_220] : memref<10112x64xf32, #tpu.memory_space<vmem_shared>> -> memref<10112x64xf32, #tpu.memory_space<vmem_shared>>
        tpu.wait_indirect_dma semaphore(%run_scoped3A_209 : memref<!tpu.dma_semaphore, #tpu.memory_space<semaphore_mem>>) src(%arg10 : memref<200x64xf32, #tpu.memory_space<vmem>>) dst(%dma_wait3A_221 : memref<10112x64xf32, #tpu.memory_space<vmem_shared>>)
        tpu.yield
      }) : () -> ()
      %dma_wait3A_194 = arith.constant 0 : i32
      %dma_wait3A_195 = tpu.memref_slice %arg15[%dma_wait3A_194] : memref<208xf32, #tpu.memory_space<vmem>> -> memref<200xf32, #tpu.memory_space<vmem>>
      %dma_wait3A_196 = arith.constant 0 : i32
      %dma_wait3A_197 = tpu.memref_slice %arg8[%mul3A_149, %dma_wait3A_196] : memref<50x200xi32, #tpu.memory_space<vmem>> -> memref<1x200xi32, #tpu.memory_space<vmem>>
      %dma_wait3A_198 = tpu.memref_squeeze %dma_wait3A_197 : memref<1x200xi32, #tpu.memory_space<vmem>> -> memref<200xi32, #tpu.memory_space<vmem>>
      %dma_wait3A_199 = arith.constant 0 : i32
      %dma_wait3A_200 = tpu.memref_slice %arg17[%dma_wait3A_199] : memref<10240xf32, #tpu.memory_space<vmem_shared>> -> memref<10240xf32, #tpu.memory_space<vmem_shared>>
      tpu.wait_indirect_dma semaphore(%arg18 : memref<!tpu.dma_semaphore, #tpu.memory_space<semaphore_mem>>) src(%dma_wait3A_195 : memref<200xf32, #tpu.memory_space<vmem>>) dst(%dma_wait3A_200 : memref<10240xf32, #tpu.memory_space<vmem_shared>>)
      %dma_wait3A_201 = arith.constant 0 : i32
      %dma_wait3A_202 = tpu.memref_slice %arg15[%dma_wait3A_201] : memref<208xf32, #tpu.memory_space<vmem>> -> memref<200xf32, #tpu.memory_space<vmem>>
      %dma_wait3A_203 = arith.constant 0 : i32
      %dma_wait3A_204 = tpu.memref_slice %arg8[%add3A_184, %dma_wait3A_203] : memref<50x200xi32, #tpu.memory_space<vmem>> -> memref<1x200xi32, #tpu.memory_space<vmem>>
      %dma_wait3A_205 = tpu.memref_squeeze %dma_wait3A_204 : memref<1x200xi32, #tpu.memory_space<vmem>> -> memref<200xi32, #tpu.memory_space<vmem>>
      %dma_wait3A_206 = arith.constant 0 : i32
      %dma_wait3A_207 = tpu.memref_slice %arg17[%dma_wait3A_206] : memref<10240xf32, #tpu.memory_space<vmem_shared>> -> memref<10240xf32, #tpu.memory_space<vmem_shared>>
      tpu.wait_indirect_dma semaphore(%arg18 : memref<!tpu.dma_semaphore, #tpu.memory_space<semaphore_mem>>) src(%dma_wait3A_202 : memref<200xf32, #tpu.memory_space<vmem>>) dst(%dma_wait3A_207 : memref<10240xf32, #tpu.memory_space<vmem_shared>>)
      %scan3A_208 = arith.constant 0 : i32
      scf.yield %scan3A_208 : i32
    }
    %scan3A_134 = arith.constant 25 : i32
    %barrier3A_135 = arith.constant 0 : index
    tpu.barrier barrier_id(%barrier3A_135)
    %lt3A_136 = arith.constant 15 : i32
    %lt3A_137 = arith.cmpi slt, %arg1, %lt3A_136 : i32
    %convert_element_type3A_138 = arith.extui %lt3A_137 : i1 to i32
    %cond3A_139 = arith.constant 0 : i32
    %cond3A_140 = arith.cmpi ne, %convert_element_type3A_138, %cond3A_139 : i32
    scf.if %cond3A_140 {
      "tpu.region"() ({
        %run_scoped3A_146 = tpu.sem_alloc : memref<!tpu.dma_semaphore, #tpu.memory_space<semaphore_mem>>
        %dma_start3A_147 = arith.constant 0 : i32
        %dma_start3A_148 = tpu.memref_slice %arg5[%arg0, %mul3A_4, %dma_start3A_147] : memref<2x10000x64xf32, #tpu.memory_space<hbm>> -> memref<1x632x64xf32, #tpu.memory_space<hbm>>
        %dma_start3A_149 = tpu.memref_squeeze %dma_start3A_148 : memref<1x632x64xf32, #tpu.memory_space<hbm>> -> memref<632x64xf32, #tpu.memory_space<hbm>>
        %dma_start3A_150 = arith.constant 0 : i32
        %dma_start3A_151 = tpu.memref_slice %arg11[%mul3A_4, %dma_start3A_150] : memref<10112x64xf32, #tpu.memory_space<vmem_shared>> -> memref<632x64xf32, #tpu.memory_space<vmem_shared>>
        tpu.enqueue_dma source(%dma_start3A_151 : memref<632x64xf32, #tpu.memory_space<vmem_shared>>) target(%dma_start3A_149 : memref<632x64xf32, #tpu.memory_space<hbm>>) target_semaphore(%run_scoped3A_146 : memref<!tpu.dma_semaphore, #tpu.memory_space<semaphore_mem>>)
        %dma_wait3A = arith.constant 0 : i32
        %dma_wait3A_152 = tpu.memref_slice %arg5[%arg0, %mul3A_4, %dma_wait3A] : memref<2x10000x64xf32, #tpu.memory_space<hbm>> -> memref<1x632x64xf32, #tpu.memory_space<hbm>>
        %dma_wait3A_153 = tpu.memref_squeeze %dma_wait3A_152 : memref<1x632x64xf32, #tpu.memory_space<hbm>> -> memref<632x64xf32, #tpu.memory_space<hbm>>
        %dma_wait3A_154 = arith.constant 0 : i32
        %dma_wait3A_155 = tpu.memref_slice %arg11[%mul3A_4, %dma_wait3A_154] : memref<10112x64xf32, #tpu.memory_space<vmem_shared>> -> memref<632x64xf32, #tpu.memory_space<vmem_shared>>
        tpu.wait_dma2 semaphore(%run_scoped3A_146 : memref<!tpu.dma_semaphore, #tpu.memory_space<semaphore_mem>>) src(%dma_wait3A_155 : memref<632x64xf32, #tpu.memory_space<vmem_shared>>) dst(%dma_wait3A_153 : memref<632x64xf32, #tpu.memory_space<hbm>>)
        tpu.yield
      }) : () -> ()
    } else {
    }
    %eq3A_141 = arith.constant 15 : i32
    %eq3A_142 = arith.cmpi eq, %arg1, %eq3A_141 : i32
    %convert_element_type3A_143 = arith.extui %eq3A_142 : i1 to i32
    %cond3A_144 = arith.constant 0 : i32
    %cond3A_145 = arith.cmpi ne, %convert_element_type3A_143, %cond3A_144 : i32
    scf.if %cond3A_145 {
      "tpu.region"() ({
        %run_scoped3A_146 = tpu.sem_alloc : memref<!tpu.dma_semaphore, #tpu.memory_space<semaphore_mem>>
        %dma_start3A_147 = arith.constant 0 : i32
        %dma_start3A_148 = tpu.memref_slice %arg5[%arg0, %mul3A_4, %dma_start3A_147] : memref<2x10000x64xf32, #tpu.memory_space<hbm>> -> memref<1x520x64xf32, #tpu.memory_space<hbm>>
        %dma_start3A_149 = tpu.memref_squeeze %dma_start3A_148 : memref<1x520x64xf32, #tpu.memory_space<hbm>> -> memref<520x64xf32, #tpu.memory_space<hbm>>
        %dma_start3A_150 = arith.constant 0 : i32
        %dma_start3A_151 = tpu.memref_slice %arg11[%mul3A_4, %dma_start3A_150] : memref<10112x64xf32, #tpu.memory_space<vmem_shared>> -> memref<520x64xf32, #tpu.memory_space<vmem_shared>>
        tpu.enqueue_dma source(%dma_start3A_151 : memref<520x64xf32, #tpu.memory_space<vmem_shared>>) target(%dma_start3A_149 : memref<520x64xf32, #tpu.memory_space<hbm>>) target_semaphore(%run_scoped3A_146 : memref<!tpu.dma_semaphore, #tpu.memory_space<semaphore_mem>>)
        %dma_wait3A = arith.constant 0 : i32
        %dma_wait3A_152 = tpu.memref_slice %arg5[%arg0, %mul3A_4, %dma_wait3A] : memref<2x10000x64xf32, #tpu.memory_space<hbm>> -> memref<1x520x64xf32, #tpu.memory_space<hbm>>
        %dma_wait3A_153 = tpu.memref_squeeze %dma_wait3A_152 : memref<1x520x64xf32, #tpu.memory_space<hbm>> -> memref<520x64xf32, #tpu.memory_space<hbm>>
        %dma_wait3A_154 = arith.constant 0 : i32
        %dma_wait3A_155 = tpu.memref_slice %arg11[%mul3A_4, %dma_wait3A_154] : memref<10112x64xf32, #tpu.memory_space<vmem_shared>> -> memref<520x64xf32, #tpu.memory_space<vmem_shared>>
        tpu.wait_dma2 semaphore(%run_scoped3A_146 : memref<!tpu.dma_semaphore, #tpu.memory_space<semaphore_mem>>) src(%dma_wait3A_155 : memref<520x64xf32, #tpu.memory_space<vmem_shared>>) dst(%dma_wait3A_153 : memref<520x64xf32, #tpu.memory_space<hbm>>)
        tpu.yield
      }) : () -> ()
    } else {
    }
    %run_scoped3A = arith.constant 0 : i32
    "tpu.region"() ({
      %run_scoped3A_146 = tpu.sem_alloc : memref<!tpu.dma_semaphore, #tpu.memory_space<semaphore_mem>>
      %dma_start3A_147 = tpu.memref_slice %arg6[%arg0, %run_scoped3A, %mul3A_2] : memref<2x1x10240xf32, #tpu.memory_space<hbm>> -> memref<1x1x640xf32, #tpu.memory_space<hbm>>
      %dma_start3A_148 = tpu.memref_squeeze %dma_start3A_147 : memref<1x1x640xf32, #tpu.memory_space<hbm>> -> memref<640xf32, #tpu.memory_space<hbm>>
      %dma_start3A_149 = tpu.memref_slice %arg17[%mul3A_2] : memref<10240xf32, #tpu.memory_space<vmem_shared>> -> memref<640xf32, #tpu.memory_space<vmem_shared>>
      tpu.enqueue_dma source(%dma_start3A_149 : memref<640xf32, #tpu.memory_space<vmem_shared>>) target(%dma_start3A_148 : memref<640xf32, #tpu.memory_space<hbm>>) target_semaphore(%run_scoped3A_146 : memref<!tpu.dma_semaphore, #tpu.memory_space<semaphore_mem>>)
      %dma_wait3A = tpu.memref_slice %arg6[%arg0, %run_scoped3A, %mul3A_2] : memref<2x1x10240xf32, #tpu.memory_space<hbm>> -> memref<1x1x640xf32, #tpu.memory_space<hbm>>
      %dma_wait3A_150 = tpu.memref_squeeze %dma_wait3A : memref<1x1x640xf32, #tpu.memory_space<hbm>> -> memref<640xf32, #tpu.memory_space<hbm>>
      %dma_wait3A_151 = tpu.memref_slice %arg17[%mul3A_2] : memref<10240xf32, #tpu.memory_space<vmem_shared>> -> memref<640xf32, #tpu.memory_space<vmem_shared>>
      tpu.wait_dma2 semaphore(%run_scoped3A_146 : memref<!tpu.dma_semaphore, #tpu.memory_space<semaphore_mem>>) src(%dma_wait3A_151 : memref<640xf32, #tpu.memory_space<vmem_shared>>) dst(%dma_wait3A_150 : memref<640xf32, #tpu.memory_space<hbm>>)
      tpu.yield
    }) : () -> ()
    return
  }
}

#map = affine_map<(d0, d1) -> (0, 0, 0)>
#map1 = affine_map<(d0, d1) -> (0, 0)>
module attributes {stable_mosaic.version = 14 : i64} {
  func.func @body(%arg0: i32, %arg1: i32, %arg2: memref<32x50x200xi32, #tpu.memory_space<hbm>>, %arg3: memref<32x50x200xi32, #tpu.memory_space<hbm>>, %arg4: memref<10000x64xf32, #tpu.memory_space<hbm>>, %arg5: memref<2x10000x64xf32, #tpu.memory_space<hbm>>, %arg6: memref<50x200xi32, #tpu.memory_space<vmem>>, %arg7: memref<50x200xi32, #tpu.memory_space<vmem>>, %arg8: memref<200x64xf32, #tpu.memory_space<vmem>>, %arg9: memref<200x64xf32, #tpu.memory_space<vmem>>, %arg10: memref<10112x64xf32, #tpu.memory_space<vmem_shared>>, %arg11: memref<10000x64xf32, #tpu.memory_space<vmem_shared>>, %arg12: memref<!tpu.dma_semaphore, #tpu.memory_space<semaphore_mem>>, %arg13: memref<!tpu.dma_semaphore, #tpu.memory_space<semaphore_mem>>) attributes {dimension_semantics = [#tpu.dimension_semantics<core_parallel>, #tpu.dimension_semantics<subcore_parallel>], iteration_bounds = array<i64: 2, 16>, scalar_prefetch = 0 : i64, scratch_operands = 8 : i64, tpu.core_type = #tpu.core_type<sc_vector_subcore>, window_params = [{transform_indices = #map}, {transform_indices = #map}, {transform_indices = #map1}, {transform_indices = #map}]} {
    %mul3A = arith.constant 2 : i32
    %mul3A_0 = arith.muli %arg1, %mul3A : i32
    %add3A = arith.addi %mul3A_0, %arg0 : i32
    %mul3A_1 = arith.constant 640 : i32
    %mul3A_2 = arith.muli %arg1, %mul3A_1 : i32
    %mul3A_3 = arith.constant 632 : i32
    %mul3A_4 = arith.muli %arg1, %mul3A_3 : i32
    %broadcast_in_dim3A = arith.constant 0.000000e+00 : f32
    %broadcast_in_dim3A_5 = vector.broadcast %broadcast_in_dim3A : f32 to vector<16xf32>
    %scan3A = arith.constant 0 : i32
    %scan3A_6 = arith.constant 0 : i32
    %scan3A_7 = arith.constant 79 : i32
    %scan3A_8 = arith.addi %scan3A_6, %scan3A_7 : i32
    %scan3A_9 = arith.constant 1 : i32
    %scan3A_10 = scf.for %scan3A_49 = %scan3A_6 to %scan3A_8 step %scan3A_9 iter_args(%scan3A_50 = %scan3A) -> (i32)  : i32 {
      %swap3A = arith.index_cast %scan3A_49 : i32 to index
      %swap3A_51 = arith.constant 0 : index
      %swap3A_52 = tpu.vector_load %arg8[%swap3A, %swap3A_51] {strides = array<i32>} : memref<200x64xf32, #tpu.memory_space<vmem>>, vector<1x16xf32>,
      %swap3A_53 = vector.shape_cast %swap3A_52 : vector<1x16xf32> to vector<16xf32>
      %swap3A_54 = vector.shape_cast %broadcast_in_dim3A_5 : vector<16xf32> to vector<1x16xf32>
      tpu.vector_store %arg8[%swap3A, %swap3A_51], %swap3A_54 {strides = array<i32>} : memref<200x64xf32, #tpu.memory_space<vmem>>, vector<1x16xf32>,
      %swap3A_55 = arith.index_cast %scan3A_49 : i32 to index
      %swap3A_56 = arith.constant 16 : index
      %swap3A_57 = tpu.vector_load %arg8[%swap3A_55, %swap3A_56] {strides = array<i32>} : memref<200x64xf32, #tpu.memory_space<vmem>>, vector<1x16xf32>,
      %swap3A_58 = vector.shape_cast %swap3A_57 : vector<1x16xf32> to vector<16xf32>
      %swap3A_59 = vector.shape_cast %broadcast_in_dim3A_5 : vector<16xf32> to vector<1x16xf32>
      tpu.vector_store %arg8[%swap3A_55, %swap3A_56], %swap3A_59 {strides = array<i32>} : memref<200x64xf32, #tpu.memory_space<vmem>>, vector<1x16xf32>,
      %swap3A_60 = arith.index_cast %scan3A_49 : i32 to index
      %swap3A_61 = arith.constant 32 : index
      %swap3A_62 = tpu.vector_load %arg8[%swap3A_60, %swap3A_61] {strides = array<i32>} : memref<200x64xf32, #tpu.memory_space<vmem>>, vector<1x16xf32>,
      %swap3A_63 = vector.shape_cast %swap3A_62 : vector<1x16xf32> to vector<16xf32>
      %swap3A_64 = vector.shape_cast %broadcast_in_dim3A_5 : vector<16xf32> to vector<1x16xf32>
      tpu.vector_store %arg8[%swap3A_60, %swap3A_61], %swap3A_64 {strides = array<i32>} : memref<200x64xf32, #tpu.memory_space<vmem>>, vector<1x16xf32>,
      %swap3A_65 = arith.index_cast %scan3A_49 : i32 to index
      %swap3A_66 = arith.constant 48 : index
      %swap3A_67 = tpu.vector_load %arg8[%swap3A_65, %swap3A_66] {strides = array<i32>} : memref<200x64xf32, #tpu.memory_space<vmem>>, vector<1x16xf32>,
      %swap3A_68 = vector.shape_cast %swap3A_67 : vector<1x16xf32> to vector<16xf32>
      %swap3A_69 = vector.shape_cast %broadcast_in_dim3A_5 : vector<16xf32> to vector<1x16xf32>
      tpu.vector_store %arg8[%swap3A_65, %swap3A_66], %swap3A_69 {strides = array<i32>} : memref<200x64xf32, #tpu.memory_space<vmem>>, vector<1x16xf32>,
      %scan3A_70 = arith.constant 0 : i32
      scf.yield %scan3A_70 : i32
    }
    %scan3A_11 = arith.constant 79 : i32
    %scan3A_12 = arith.constant 0 : i32
    %scan3A_13 = arith.constant 0 : i32
    %scan3A_14 = arith.constant 8 : i32
    %scan3A_15 = arith.addi %scan3A_13, %scan3A_14 : i32
    %scan3A_16 = arith.constant 1 : i32
    %scan3A_17 = scf.for %scan3A_49 = %scan3A_13 to %scan3A_15 step %scan3A_16 iter_args(%scan3A_50 = %scan3A_12) -> (i32)  : i32 {
      %mul3A_51 = arith.constant 79 : i32
      %mul3A_52 = arith.muli %scan3A_49, %mul3A_51 : i32
      %add3A_53 = arith.addi %mul3A_4, %mul3A_52 : i32
      "tpu.region"() ({
        %run_scoped3A = tpu.sem_alloc : memref<!tpu.dma_semaphore, #tpu.memory_space<semaphore_mem>>
        %dma_start3A_55 = arith.constant 0 : i32
        %dma_start3A_56 = arith.constant 0 : i32
        %dma_start3A_57 = tpu.memref_slice %arg8[%dma_start3A_55, %dma_start3A_56] : memref<200x64xf32, #tpu.memory_space<vmem>> -> memref<79x64xf32, #tpu.memory_space<vmem>>
        %dma_start3A_58 = arith.constant 0 : i32
        %dma_start3A_59 = tpu.memref_slice %arg10[%add3A_53, %dma_start3A_58] : memref<10112x64xf32, #tpu.memory_space<vmem_shared>> -> memref<79x64xf32, #tpu.memory_space<vmem_shared>>
        %dma_start3A_60 = arith.constant 0 : i32
        %dma_start3A_61 = tpu.memref_slice %arg10[%add3A_53, %dma_start3A_60] : memref<10112x64xf32, #tpu.memory_space<vmem_shared>> -> memref<79x64xf32, #tpu.memory_space<vmem_shared>>
        %dma_start3A_62 = arith.constant 0 : i32
        %dma_start3A_63 = arith.constant 0 : i32
        %dma_start3A_64 = tpu.memref_slice %arg8[%dma_start3A_62, %dma_start3A_63] : memref<200x64xf32, #tpu.memory_space<vmem>> -> memref<79x64xf32, #tpu.memory_space<vmem>>
        tpu.enqueue_dma source(%dma_start3A_64 : memref<79x64xf32, #tpu.memory_space<vmem>>) target(%dma_start3A_61 : memref<79x64xf32, #tpu.memory_space<vmem_shared>>) target_semaphore(%run_scoped3A : memref<!tpu.dma_semaphore, #tpu.memory_space<semaphore_mem>>)
        %dma_wait3A = arith.constant 0 : i32
        %dma_wait3A_65 = arith.constant 0 : i32
        %dma_wait3A_66 = tpu.memref_slice %arg8[%dma_wait3A, %dma_wait3A_65] : memref<200x64xf32, #tpu.memory_space<vmem>> -> memref<79x64xf32, #tpu.memory_space<vmem>>
        %dma_wait3A_67 = arith.constant 0 : i32
        %dma_wait3A_68 = tpu.memref_slice %arg10[%add3A_53, %dma_wait3A_67] : memref<10112x64xf32, #tpu.memory_space<vmem_shared>> -> memref<79x64xf32, #tpu.memory_space<vmem_shared>>
        %dma_wait3A_69 = arith.constant 0 : i32
        %dma_wait3A_70 = tpu.memref_slice %arg10[%add3A_53, %dma_wait3A_69] : memref<10112x64xf32, #tpu.memory_space<vmem_shared>> -> memref<79x64xf32, #tpu.memory_space<vmem_shared>>
        %dma_wait3A_71 = arith.constant 0 : i32
        %dma_wait3A_72 = arith.constant 0 : i32
        %dma_wait3A_73 = tpu.memref_slice %arg8[%dma_wait3A_71, %dma_wait3A_72] : memref<200x64xf32, #tpu.memory_space<vmem>> -> memref<79x64xf32, #tpu.memory_space<vmem>>
        tpu.wait_dma2 semaphore(%run_scoped3A : memref<!tpu.dma_semaphore, #tpu.memory_space<semaphore_mem>>) src(%dma_wait3A_73 : memref<79x64xf32, #tpu.memory_space<vmem>>) dst(%dma_wait3A_70 : memref<79x64xf32, #tpu.memory_space<vmem_shared>>)
        tpu.yield
      }) : () -> ()
      %scan3A_54 = arith.constant 0 : i32
      scf.yield %scan3A_54 : i32
    }
    %scan3A_18 = arith.constant 8 : i32
    "tpu.region"() ({
      %run_scoped3A = tpu.sem_alloc : memref<!tpu.dma_semaphore, #tpu.memory_space<semaphore_mem>>
      %dma_start3A_49 = arith.constant 0 : i32
      %dma_start3A_50 = arith.constant 0 : i32
      %dma_start3A_51 = tpu.memref_slice %arg2[%add3A, %dma_start3A_49, %dma_start3A_50] : memref<32x50x200xi32, #tpu.memory_space<hbm>> -> memref<1x50x200xi32, #tpu.memory_space<hbm>>
      %dma_start3A_52 = tpu.memref_squeeze %dma_start3A_51 : memref<1x50x200xi32, #tpu.memory_space<hbm>> -> memref<50x200xi32, #tpu.memory_space<hbm>>
      %dma_start3A_53 = arith.constant 0 : i32
      %dma_start3A_54 = arith.constant 0 : i32
      %dma_start3A_55 = tpu.memref_slice %arg2[%add3A, %dma_start3A_53, %dma_start3A_54] : memref<32x50x200xi32, #tpu.memory_space<hbm>> -> memref<1x50x200xi32, #tpu.memory_space<hbm>>
      %dma_start3A_56 = tpu.memref_squeeze %dma_start3A_55 : memref<1x50x200xi32, #tpu.memory_space<hbm>> -> memref<50x200xi32, #tpu.memory_space<hbm>>
      tpu.enqueue_dma source(%dma_start3A_56 : memref<50x200xi32, #tpu.memory_space<hbm>>) target(%arg6 : memref<50x200xi32, #tpu.memory_space<vmem>>) target_semaphore(%run_scoped3A : memref<!tpu.dma_semaphore, #tpu.memory_space<semaphore_mem>>)
      %dma_wait3A = arith.constant 0 : i32
      %dma_wait3A_57 = arith.constant 0 : i32
      %dma_wait3A_58 = tpu.memref_slice %arg2[%add3A, %dma_wait3A, %dma_wait3A_57] : memref<32x50x200xi32, #tpu.memory_space<hbm>> -> memref<1x50x200xi32, #tpu.memory_space<hbm>>
      %dma_wait3A_59 = tpu.memref_squeeze %dma_wait3A_58 : memref<1x50x200xi32, #tpu.memory_space<hbm>> -> memref<50x200xi32, #tpu.memory_space<hbm>>
      %dma_wait3A_60 = arith.constant 0 : i32
      %dma_wait3A_61 = arith.constant 0 : i32
      %dma_wait3A_62 = tpu.memref_slice %arg2[%add3A, %dma_wait3A_60, %dma_wait3A_61] : memref<32x50x200xi32, #tpu.memory_space<hbm>> -> memref<1x50x200xi32, #tpu.memory_space<hbm>>
      %dma_wait3A_63 = tpu.memref_squeeze %dma_wait3A_62 : memref<1x50x200xi32, #tpu.memory_space<hbm>> -> memref<50x200xi32, #tpu.memory_space<hbm>>
      tpu.wait_dma2 semaphore(%run_scoped3A : memref<!tpu.dma_semaphore, #tpu.memory_space<semaphore_mem>>) src(%dma_wait3A_63 : memref<50x200xi32, #tpu.memory_space<hbm>>) dst(%arg6 : memref<50x200xi32, #tpu.memory_space<vmem>>)
      tpu.yield
    }) : () -> ()
    "tpu.region"() ({
      %run_scoped3A = tpu.sem_alloc : memref<!tpu.dma_semaphore, #tpu.memory_space<semaphore_mem>>
      %dma_start3A_49 = arith.constant 0 : i32
      %dma_start3A_50 = arith.constant 0 : i32
      %dma_start3A_51 = tpu.memref_slice %arg3[%add3A, %dma_start3A_49, %dma_start3A_50] : memref<32x50x200xi32, #tpu.memory_space<hbm>> -> memref<1x50x200xi32, #tpu.memory_space<hbm>>
      %dma_start3A_52 = tpu.memref_squeeze %dma_start3A_51 : memref<1x50x200xi32, #tpu.memory_space<hbm>> -> memref<50x200xi32, #tpu.memory_space<hbm>>
      %dma_start3A_53 = arith.constant 0 : i32
      %dma_start3A_54 = arith.constant 0 : i32
      %dma_start3A_55 = tpu.memref_slice %arg3[%add3A, %dma_start3A_53, %dma_start3A_54] : memref<32x50x200xi32, #tpu.memory_space<hbm>> -> memref<1x50x200xi32, #tpu.memory_space<hbm>>
      %dma_start3A_56 = tpu.memref_squeeze %dma_start3A_55 : memref<1x50x200xi32, #tpu.memory_space<hbm>> -> memref<50x200xi32, #tpu.memory_space<hbm>>
      tpu.enqueue_dma source(%dma_start3A_56 : memref<50x200xi32, #tpu.memory_space<hbm>>) target(%arg7 : memref<50x200xi32, #tpu.memory_space<vmem>>) target_semaphore(%run_scoped3A : memref<!tpu.dma_semaphore, #tpu.memory_space<semaphore_mem>>)
      %dma_wait3A = arith.constant 0 : i32
      %dma_wait3A_57 = arith.constant 0 : i32
      %dma_wait3A_58 = tpu.memref_slice %arg3[%add3A, %dma_wait3A, %dma_wait3A_57] : memref<32x50x200xi32, #tpu.memory_space<hbm>> -> memref<1x50x200xi32, #tpu.memory_space<hbm>>
      %dma_wait3A_59 = tpu.memref_squeeze %dma_wait3A_58 : memref<1x50x200xi32, #tpu.memory_space<hbm>> -> memref<50x200xi32, #tpu.memory_space<hbm>>
      %dma_wait3A_60 = arith.constant 0 : i32
      %dma_wait3A_61 = arith.constant 0 : i32
      %dma_wait3A_62 = tpu.memref_slice %arg3[%add3A, %dma_wait3A_60, %dma_wait3A_61] : memref<32x50x200xi32, #tpu.memory_space<hbm>> -> memref<1x50x200xi32, #tpu.memory_space<hbm>>
      %dma_wait3A_63 = tpu.memref_squeeze %dma_wait3A_62 : memref<1x50x200xi32, #tpu.memory_space<hbm>> -> memref<50x200xi32, #tpu.memory_space<hbm>>
      tpu.wait_dma2 semaphore(%run_scoped3A : memref<!tpu.dma_semaphore, #tpu.memory_space<semaphore_mem>>) src(%dma_wait3A_63 : memref<50x200xi32, #tpu.memory_space<hbm>>) dst(%arg7 : memref<50x200xi32, #tpu.memory_space<vmem>>)
      tpu.yield
    }) : () -> ()
    %lt3A = arith.constant 15 : i32
    %lt3A_19 = arith.cmpi slt, %arg1, %lt3A : i32
    %convert_element_type3A = arith.extui %lt3A_19 : i1 to i32
    %cond3A = arith.constant 0 : i32
    %cond3A_20 = arith.cmpi ne, %convert_element_type3A, %cond3A : i32
    scf.if %cond3A_20 {
      "tpu.region"() ({
        %run_scoped3A = tpu.sem_alloc : memref<!tpu.dma_semaphore, #tpu.memory_space<semaphore_mem>>
        %dma_start3A_49 = arith.constant 0 : i32
        %dma_start3A_50 = tpu.memref_slice %arg11[%mul3A_2, %dma_start3A_49] : memref<10000x64xf32, #tpu.memory_space<vmem_shared>> -> memref<640x64xf32, #tpu.memory_space<vmem_shared>>
        %dma_start3A_51 = arith.constant 0 : i32
        %dma_start3A_52 = tpu.memref_slice %arg4[%mul3A_2, %dma_start3A_51] : memref<10000x64xf32, #tpu.memory_space<hbm>> -> memref<640x64xf32, #tpu.memory_space<hbm>>
        tpu.enqueue_dma source(%dma_start3A_52 : memref<640x64xf32, #tpu.memory_space<hbm>>) target(%dma_start3A_50 : memref<640x64xf32, #tpu.memory_space<vmem_shared>>) target_semaphore(%run_scoped3A : memref<!tpu.dma_semaphore, #tpu.memory_space<semaphore_mem>>)
        %dma_wait3A = arith.constant 0 : i32
        %dma_wait3A_53 = tpu.memref_slice %arg11[%mul3A_2, %dma_wait3A] : memref<10000x64xf32, #tpu.memory_space<vmem_shared>> -> memref<640x64xf32, #tpu.memory_space<vmem_shared>>
        %dma_wait3A_54 = arith.constant 0 : i32
        %dma_wait3A_55 = tpu.memref_slice %arg4[%mul3A_2, %dma_wait3A_54] : memref<10000x64xf32, #tpu.memory_space<hbm>> -> memref<640x64xf32, #tpu.memory_space<hbm>>
        tpu.wait_dma2 semaphore(%run_scoped3A : memref<!tpu.dma_semaphore, #tpu.memory_space<semaphore_mem>>) src(%dma_wait3A_55 : memref<640x64xf32, #tpu.memory_space<hbm>>) dst(%dma_wait3A_53 : memref<640x64xf32, #tpu.memory_space<vmem_shared>>)
        tpu.yield
      }) : () -> ()
    } else {
    }
    %eq3A = arith.constant 15 : i32
    %eq3A_21 = arith.cmpi eq, %arg1, %eq3A : i32
    %convert_element_type3A_22 = arith.extui %eq3A_21 : i1 to i32
    %cond3A_23 = arith.constant 0 : i32
    %cond3A_24 = arith.cmpi ne, %convert_element_type3A_22, %cond3A_23 : i32
    scf.if %cond3A_24 {
      "tpu.region"() ({
        %run_scoped3A = tpu.sem_alloc : memref<!tpu.dma_semaphore, #tpu.memory_space<semaphore_mem>>
        %dma_start3A_49 = arith.constant 0 : i32
        %dma_start3A_50 = tpu.memref_slice %arg11[%mul3A_2, %dma_start3A_49] : memref<10000x64xf32, #tpu.memory_space<vmem_shared>> -> memref<400x64xf32, #tpu.memory_space<vmem_shared>>
        %dma_start3A_51 = arith.constant 0 : i32
        %dma_start3A_52 = tpu.memref_slice %arg4[%mul3A_2, %dma_start3A_51] : memref<10000x64xf32, #tpu.memory_space<hbm>> -> memref<400x64xf32, #tpu.memory_space<hbm>>
        tpu.enqueue_dma source(%dma_start3A_52 : memref<400x64xf32, #tpu.memory_space<hbm>>) target(%dma_start3A_50 : memref<400x64xf32, #tpu.memory_space<vmem_shared>>) target_semaphore(%run_scoped3A : memref<!tpu.dma_semaphore, #tpu.memory_space<semaphore_mem>>)
        %dma_wait3A = arith.constant 0 : i32
        %dma_wait3A_53 = tpu.memref_slice %arg11[%mul3A_2, %dma_wait3A] : memref<10000x64xf32, #tpu.memory_space<vmem_shared>> -> memref<400x64xf32, #tpu.memory_space<vmem_shared>>
        %dma_wait3A_54 = arith.constant 0 : i32
        %dma_wait3A_55 = tpu.memref_slice %arg4[%mul3A_2, %dma_wait3A_54] : memref<10000x64xf32, #tpu.memory_space<hbm>> -> memref<400x64xf32, #tpu.memory_space<hbm>>
        tpu.wait_dma2 semaphore(%run_scoped3A : memref<!tpu.dma_semaphore, #tpu.memory_space<semaphore_mem>>) src(%dma_wait3A_55 : memref<400x64xf32, #tpu.memory_space<hbm>>) dst(%dma_wait3A_53 : memref<400x64xf32, #tpu.memory_space<vmem_shared>>)
        tpu.yield
      }) : () -> ()
    } else {
    }
    %barrier3A = arith.constant 0 : index
    tpu.barrier barrier_id(%barrier3A)
    %dma_start3A = arith.constant 0 : i32
    %dma_start3A_25 = arith.constant 0 : i32
    %dma_start3A_26 = tpu.memref_slice %arg6[%dma_start3A, %dma_start3A_25] : memref<50x200xi32, #tpu.memory_space<vmem>> -> memref<1x200xi32, #tpu.memory_space<vmem>>
    %dma_start3A_27 = tpu.memref_squeeze %dma_start3A_26 : memref<1x200xi32, #tpu.memory_space<vmem>> -> memref<200xi32, #tpu.memory_space<vmem>>
    %dma_start3A_28 = arith.constant 0 : i32
    %dma_start3A_29 = arith.constant 0 : i32
    %dma_start3A_30 = tpu.memref_slice %arg11[%dma_start3A_28, %dma_start3A_29] : memref<10000x64xf32, #tpu.memory_space<vmem_shared>> -> memref<10000x64xf32, #tpu.memory_space<vmem_shared>>
    tpu.enqueue_indirect_dma source(%dma_start3A_30 : memref<10000x64xf32, #tpu.memory_space<vmem_shared>>) target(%arg8 : memref<200x64xf32, #tpu.memory_space<vmem>>) offsets(%dma_start3A_27 : memref<200xi32, #tpu.memory_space<vmem>>) semaphore(%arg12 : memref<!tpu.dma_semaphore, #tpu.memory_space<semaphore_mem>>)
    %scan3A_31 = arith.constant 0 : i32
    %scan3A_32 = arith.constant 0 : i32
    %scan3A_33 = arith.constant 25 : i32
    %scan3A_34 = arith.addi %scan3A_32, %scan3A_33 : i32
    %scan3A_35 = arith.constant 1 : i32
    %scan3A_36 = scf.for %scan3A_49 = %scan3A_32 to %scan3A_34 step %scan3A_35 iter_args(%scan3A_50 = %scan3A_31) -> (i32)  : i32 {
      %mul3A_51 = arith.constant 2 : i32
      %mul3A_52 = arith.muli %mul3A_51, %scan3A_49 : i32
      %add3A_53 = arith.constant 1 : i32
      %add3A_54 = arith.addi %mul3A_52, %add3A_53 : i32
      %dma_start3A_55 = arith.constant 0 : i32
      %dma_start3A_56 = tpu.memref_slice %arg6[%add3A_54, %dma_start3A_55] : memref<50x200xi32, #tpu.memory_space<vmem>> -> memref<1x200xi32, #tpu.memory_space<vmem>>
      %dma_start3A_57 = tpu.memref_squeeze %dma_start3A_56 : memref<1x200xi32, #tpu.memory_space<vmem>> -> memref<200xi32, #tpu.memory_space<vmem>>
      %dma_start3A_58 = arith.constant 0 : i32
      %dma_start3A_59 = arith.constant 0 : i32
      %dma_start3A_60 = tpu.memref_slice %arg11[%dma_start3A_58, %dma_start3A_59] : memref<10000x64xf32, #tpu.memory_space<vmem_shared>> -> memref<10000x64xf32, #tpu.memory_space<vmem_shared>>
      tpu.enqueue_indirect_dma source(%dma_start3A_60 : memref<10000x64xf32, #tpu.memory_space<vmem_shared>>) target(%arg9 : memref<200x64xf32, #tpu.memory_space<vmem>>) offsets(%dma_start3A_57 : memref<200xi32, #tpu.memory_space<vmem>>) semaphore(%arg13 : memref<!tpu.dma_semaphore, #tpu.memory_space<semaphore_mem>>)
      %dma_wait3A = arith.constant 0 : i32
      %dma_wait3A_61 = tpu.memref_slice %arg6[%mul3A_52, %dma_wait3A] : memref<50x200xi32, #tpu.memory_space<vmem>> -> memref<1x200xi32, #tpu.memory_space<vmem>>
      %dma_wait3A_62 = tpu.memref_squeeze %dma_wait3A_61 : memref<1x200xi32, #tpu.memory_space<vmem>> -> memref<200xi32, #tpu.memory_space<vmem>>
      %dma_wait3A_63 = arith.constant 0 : i32
      %dma_wait3A_64 = arith.constant 0 : i32
      %dma_wait3A_65 = tpu.memref_slice %arg11[%dma_wait3A_63, %dma_wait3A_64] : memref<10000x64xf32, #tpu.memory_space<vmem_shared>> -> memref<10000x64xf32, #tpu.memory_space<vmem_shared>>
      tpu.wait_indirect_dma semaphore(%arg12 : memref<!tpu.dma_semaphore, #tpu.memory_space<semaphore_mem>>) src(%dma_wait3A_65 : memref<10000x64xf32, #tpu.memory_space<vmem_shared>>) dst(%arg8 : memref<200x64xf32, #tpu.memory_space<vmem>>)
      "tpu.region"() ({
        %run_scoped3A = tpu.sem_alloc : memref<!tpu.dma_semaphore, #tpu.memory_space<semaphore_mem>>
        %dma_start3A_82 = arith.constant 0 : i32
        %dma_start3A_83 = tpu.memref_slice %arg7[%mul3A_52, %dma_start3A_82] : memref<50x200xi32, #tpu.memory_space<vmem>> -> memref<1x200xi32, #tpu.memory_space<vmem>>
        %dma_start3A_84 = tpu.memref_squeeze %dma_start3A_83 : memref<1x200xi32, #tpu.memory_space<vmem>> -> memref<200xi32, #tpu.memory_space<vmem>>
        %dma_start3A_85 = arith.constant 0 : i32
        %dma_start3A_86 = arith.constant 0 : i32
        %dma_start3A_87 = tpu.memref_slice %arg10[%dma_start3A_85, %dma_start3A_86] : memref<10112x64xf32, #tpu.memory_space<vmem_shared>> -> memref<10112x64xf32, #tpu.memory_space<vmem_shared>>
        tpu.enqueue_indirect_dma source(%arg8 : memref<200x64xf32, #tpu.memory_space<vmem>>) target(%dma_start3A_87 : memref<10112x64xf32, #tpu.memory_space<vmem_shared>>) offsets(%dma_start3A_84 : memref<200xi32, #tpu.memory_space<vmem>>) semaphore(%run_scoped3A : memref<!tpu.dma_semaphore, #tpu.memory_space<semaphore_mem>>) {add = true}
        %dma_wait3A_88 = arith.constant 0 : i32
        %dma_wait3A_89 = tpu.memref_slice %arg7[%mul3A_52, %dma_wait3A_88] : memref<50x200xi32, #tpu.memory_space<vmem>> -> memref<1x200xi32, #tpu.memory_space<vmem>>
        %dma_wait3A_90 = tpu.memref_squeeze %dma_wait3A_89 : memref<1x200xi32, #tpu.memory_space<vmem>> -> memref<200xi32, #tpu.memory_space<vmem>>
        %dma_wait3A_91 = arith.constant 0 : i32
        %dma_wait3A_92 = arith.constant 0 : i32
        %dma_wait3A_93 = tpu.memref_slice %arg10[%dma_wait3A_91, %dma_wait3A_92] : memref<10112x64xf32, #tpu.memory_space<vmem_shared>> -> memref<10112x64xf32, #tpu.memory_space<vmem_shared>>
        tpu.wait_indirect_dma semaphore(%run_scoped3A : memref<!tpu.dma_semaphore, #tpu.memory_space<semaphore_mem>>) src(%arg8 : memref<200x64xf32, #tpu.memory_space<vmem>>) dst(%dma_wait3A_93 : memref<10112x64xf32, #tpu.memory_space<vmem_shared>>)
        tpu.yield
      }) : () -> ()
      %add3A_66 = arith.constant 2 : i32
      %add3A_67 = arith.addi %mul3A_52, %add3A_66 : i32
      %lt3A_68 = arith.constant 50 : i32
      %lt3A_69 = arith.cmpi slt, %add3A_67, %lt3A_68 : i32
      %convert_element_type3A_70 = arith.extui %lt3A_69 : i1 to i32
      %cond3A_71 = arith.constant 0 : i32
      %cond3A_72 = arith.cmpi ne, %convert_element_type3A_70, %cond3A_71 : i32
      scf.if %cond3A_72 {
        %add3A_82 = arith.constant 2 : i32
        %add3A_83 = arith.addi %mul3A_52, %add3A_82 : i32
        %dma_start3A_84 = arith.constant 0 : i32
        %dma_start3A_85 = tpu.memref_slice %arg6[%add3A_83, %dma_start3A_84] : memref<50x200xi32, #tpu.memory_space<vmem>> -> memref<1x200xi32, #tpu.memory_space<vmem>>
        %dma_start3A_86 = tpu.memref_squeeze %dma_start3A_85 : memref<1x200xi32, #tpu.memory_space<vmem>> -> memref<200xi32, #tpu.memory_space<vmem>>
        %dma_start3A_87 = arith.constant 0 : i32
        %dma_start3A_88 = arith.constant 0 : i32
        %dma_start3A_89 = tpu.memref_slice %arg11[%dma_start3A_87, %dma_start3A_88] : memref<10000x64xf32, #tpu.memory_space<vmem_shared>> -> memref<10000x64xf32, #tpu.memory_space<vmem_shared>>
        tpu.enqueue_indirect_dma source(%dma_start3A_89 : memref<10000x64xf32, #tpu.memory_space<vmem_shared>>) target(%arg8 : memref<200x64xf32, #tpu.memory_space<vmem>>) offsets(%dma_start3A_86 : memref<200xi32, #tpu.memory_space<vmem>>) semaphore(%arg12 : memref<!tpu.dma_semaphore, #tpu.memory_space<semaphore_mem>>)
      } else {
      }
      %dma_wait3A_73 = arith.constant 0 : i32
      %dma_wait3A_74 = tpu.memref_slice %arg6[%add3A_54, %dma_wait3A_73] : memref<50x200xi32, #tpu.memory_space<vmem>> -> memref<1x200xi32, #tpu.memory_space<vmem>>
      %dma_wait3A_75 = tpu.memref_squeeze %dma_wait3A_74 : memref<1x200xi32, #tpu.memory_space<vmem>> -> memref<200xi32, #tpu.memory_space<vmem>>
      %dma_wait3A_76 = arith.constant 0 : i32
      %dma_wait3A_77 = arith.constant 0 : i32
      %dma_wait3A_78 = tpu.memref_slice %arg11[%dma_wait3A_76, %dma_wait3A_77] : memref<10000x64xf32, #tpu.memory_space<vmem_shared>> -> memref<10000x64xf32, #tpu.memory_space<vmem_shared>>
      tpu.wait_indirect_dma semaphore(%arg13 : memref<!tpu.dma_semaphore, #tpu.memory_space<semaphore_mem>>) src(%dma_wait3A_78 : memref<10000x64xf32, #tpu.memory_space<vmem_shared>>) dst(%arg9 : memref<200x64xf32, #tpu.memory_space<vmem>>)
      %add3A_79 = arith.constant 1 : i32
      %add3A_80 = arith.addi %mul3A_52, %add3A_79 : i32
      "tpu.region"() ({
        %run_scoped3A = tpu.sem_alloc : memref<!tpu.dma_semaphore, #tpu.memory_space<semaphore_mem>>
        %dma_start3A_82 = arith.constant 0 : i32
        %dma_start3A_83 = tpu.memref_slice %arg7[%add3A_80, %dma_start3A_82] : memref<50x200xi32, #tpu.memory_space<vmem>> -> memref<1x200xi32, #tpu.memory_space<vmem>>
        %dma_start3A_84 = tpu.memref_squeeze %dma_start3A_83 : memref<1x200xi32, #tpu.memory_space<vmem>> -> memref<200xi32, #tpu.memory_space<vmem>>
        %dma_start3A_85 = arith.constant 0 : i32
        %dma_start3A_86 = arith.constant 0 : i32
        %dma_start3A_87 = tpu.memref_slice %arg10[%dma_start3A_85, %dma_start3A_86] : memref<10112x64xf32, #tpu.memory_space<vmem_shared>> -> memref<10112x64xf32, #tpu.memory_space<vmem_shared>>
        tpu.enqueue_indirect_dma source(%arg9 : memref<200x64xf32, #tpu.memory_space<vmem>>) target(%dma_start3A_87 : memref<10112x64xf32, #tpu.memory_space<vmem_shared>>) offsets(%dma_start3A_84 : memref<200xi32, #tpu.memory_space<vmem>>) semaphore(%run_scoped3A : memref<!tpu.dma_semaphore, #tpu.memory_space<semaphore_mem>>) {add = true}
        %dma_wait3A_88 = arith.constant 0 : i32
        %dma_wait3A_89 = tpu.memref_slice %arg7[%add3A_80, %dma_wait3A_88] : memref<50x200xi32, #tpu.memory_space<vmem>> -> memref<1x200xi32, #tpu.memory_space<vmem>>
        %dma_wait3A_90 = tpu.memref_squeeze %dma_wait3A_89 : memref<1x200xi32, #tpu.memory_space<vmem>> -> memref<200xi32, #tpu.memory_space<vmem>>
        %dma_wait3A_91 = arith.constant 0 : i32
        %dma_wait3A_92 = arith.constant 0 : i32
        %dma_wait3A_93 = tpu.memref_slice %arg10[%dma_wait3A_91, %dma_wait3A_92] : memref<10112x64xf32, #tpu.memory_space<vmem_shared>> -> memref<10112x64xf32, #tpu.memory_space<vmem_shared>>
        tpu.wait_indirect_dma semaphore(%run_scoped3A : memref<!tpu.dma_semaphore, #tpu.memory_space<semaphore_mem>>) src(%arg9 : memref<200x64xf32, #tpu.memory_space<vmem>>) dst(%dma_wait3A_93 : memref<10112x64xf32, #tpu.memory_space<vmem_shared>>)
        tpu.yield
      }) : () -> ()
      %scan3A_81 = arith.constant 0 : i32
      scf.yield %scan3A_81 : i32
    }
    %scan3A_37 = arith.constant 25 : i32
    %barrier3A_38 = arith.constant 0 : index
    tpu.barrier barrier_id(%barrier3A_38)
    %lt3A_39 = arith.constant 15 : i32
    %lt3A_40 = arith.cmpi slt, %arg1, %lt3A_39 : i32
    %convert_element_type3A_41 = arith.extui %lt3A_40 : i1 to i32
    %cond3A_42 = arith.constant 0 : i32
    %cond3A_43 = arith.cmpi ne, %convert_element_type3A_41, %cond3A_42 : i32
    scf.if %cond3A_43 {
      "tpu.region"() ({
        %run_scoped3A = tpu.sem_alloc : memref<!tpu.dma_semaphore, #tpu.memory_space<semaphore_mem>>
        %dma_start3A_49 = arith.constant 0 : i32
        %dma_start3A_50 = tpu.memref_slice %arg5[%arg0, %mul3A_4, %dma_start3A_49] : memref<2x10000x64xf32, #tpu.memory_space<hbm>> -> memref<1x632x64xf32, #tpu.memory_space<hbm>>
        %dma_start3A_51 = tpu.memref_squeeze %dma_start3A_50 : memref<1x632x64xf32, #tpu.memory_space<hbm>> -> memref<632x64xf32, #tpu.memory_space<hbm>>
        %dma_start3A_52 = arith.constant 0 : i32
        %dma_start3A_53 = tpu.memref_slice %arg10[%mul3A_4, %dma_start3A_52] : memref<10112x64xf32, #tpu.memory_space<vmem_shared>> -> memref<632x64xf32, #tpu.memory_space<vmem_shared>>
        tpu.enqueue_dma source(%dma_start3A_53 : memref<632x64xf32, #tpu.memory_space<vmem_shared>>) target(%dma_start3A_51 : memref<632x64xf32, #tpu.memory_space<hbm>>) target_semaphore(%run_scoped3A : memref<!tpu.dma_semaphore, #tpu.memory_space<semaphore_mem>>)
        %dma_wait3A = arith.constant 0 : i32
        %dma_wait3A_54 = tpu.memref_slice %arg5[%arg0, %mul3A_4, %dma_wait3A] : memref<2x10000x64xf32, #tpu.memory_space<hbm>> -> memref<1x632x64xf32, #tpu.memory_space<hbm>>
        %dma_wait3A_55 = tpu.memref_squeeze %dma_wait3A_54 : memref<1x632x64xf32, #tpu.memory_space<hbm>> -> memref<632x64xf32, #tpu.memory_space<hbm>>
        %dma_wait3A_56 = arith.constant 0 : i32
        %dma_wait3A_57 = tpu.memref_slice %arg10[%mul3A_4, %dma_wait3A_56] : memref<10112x64xf32, #tpu.memory_space<vmem_shared>> -> memref<632x64xf32, #tpu.memory_space<vmem_shared>>
        tpu.wait_dma2 semaphore(%run_scoped3A : memref<!tpu.dma_semaphore, #tpu.memory_space<semaphore_mem>>) src(%dma_wait3A_57 : memref<632x64xf32, #tpu.memory_space<vmem_shared>>) dst(%dma_wait3A_55 : memref<632x64xf32, #tpu.memory_space<hbm>>)
        tpu.yield
      }) : () -> ()
    } else {
    }
    %eq3A_44 = arith.constant 15 : i32
    %eq3A_45 = arith.cmpi eq, %arg1, %eq3A_44 : i32
    %convert_element_type3A_46 = arith.extui %eq3A_45 : i1 to i32
    %cond3A_47 = arith.constant 0 : i32
    %cond3A_48 = arith.cmpi ne, %convert_element_type3A_46, %cond3A_47 : i32
    scf.if %cond3A_48 {
      "tpu.region"() ({
        %run_scoped3A = tpu.sem_alloc : memref<!tpu.dma_semaphore, #tpu.memory_space<semaphore_mem>>
        %dma_start3A_49 = arith.constant 0 : i32
        %dma_start3A_50 = tpu.memref_slice %arg5[%arg0, %mul3A_4, %dma_start3A_49] : memref<2x10000x64xf32, #tpu.memory_space<hbm>> -> memref<1x520x64xf32, #tpu.memory_space<hbm>>
        %dma_start3A_51 = tpu.memref_squeeze %dma_start3A_50 : memref<1x520x64xf32, #tpu.memory_space<hbm>> -> memref<520x64xf32, #tpu.memory_space<hbm>>
        %dma_start3A_52 = arith.constant 0 : i32
        %dma_start3A_53 = tpu.memref_slice %arg10[%mul3A_4, %dma_start3A_52] : memref<10112x64xf32, #tpu.memory_space<vmem_shared>> -> memref<520x64xf32, #tpu.memory_space<vmem_shared>>
        tpu.enqueue_dma source(%dma_start3A_53 : memref<520x64xf32, #tpu.memory_space<vmem_shared>>) target(%dma_start3A_51 : memref<520x64xf32, #tpu.memory_space<hbm>>) target_semaphore(%run_scoped3A : memref<!tpu.dma_semaphore, #tpu.memory_space<semaphore_mem>>)
        %dma_wait3A = arith.constant 0 : i32
        %dma_wait3A_54 = tpu.memref_slice %arg5[%arg0, %mul3A_4, %dma_wait3A] : memref<2x10000x64xf32, #tpu.memory_space<hbm>> -> memref<1x520x64xf32, #tpu.memory_space<hbm>>
        %dma_wait3A_55 = tpu.memref_squeeze %dma_wait3A_54 : memref<1x520x64xf32, #tpu.memory_space<hbm>> -> memref<520x64xf32, #tpu.memory_space<hbm>>
        %dma_wait3A_56 = arith.constant 0 : i32
        %dma_wait3A_57 = tpu.memref_slice %arg10[%mul3A_4, %dma_wait3A_56] : memref<10112x64xf32, #tpu.memory_space<vmem_shared>> -> memref<520x64xf32, #tpu.memory_space<vmem_shared>>
        tpu.wait_dma2 semaphore(%run_scoped3A : memref<!tpu.dma_semaphore, #tpu.memory_space<semaphore_mem>>) src(%dma_wait3A_57 : memref<520x64xf32, #tpu.memory_space<vmem_shared>>) dst(%dma_wait3A_55 : memref<520x64xf32, #tpu.memory_space<hbm>>)
        tpu.yield
      }) : () -> ()
    } else {
    }
    return
  }
}

module attributes {stable_mosaic.version = 14 : i64} {
  func.func @_tc1_body(%arg0: i32, %arg1: memref<2000x128xf32, #tpu.memory_space<vmem>>, %arg2: memref<128x64xf32, #tpu.memory_space<vmem>>, %arg3: memref<128x64xf32, #tpu.memory_space<vmem>>, %arg4: memref<2000x64xf32, #tpu.memory_space<vmem>>, %arg5: memref<2000x64xf32, #tpu.memory_space<vmem>>) attributes {dimension_semantics = [#tpu.dimension_semantics<arbitrary>], iteration_bounds = array<i64: 5>, scalar_prefetch = 0 : i64, scratch_operands = 0 : i64, tpu.core_type = #tpu.core_type<tc>, window_params = [{transform_indices = @transform_0, window_bounds = array<i64: 2000, 128>}, {pipeline_mode = #tpu.pipeline_mode<synchronous>, transform_indices = @transform_1, window_bounds = array<i64: 128, 64>}, {pipeline_mode = #tpu.pipeline_mode<synchronous>, transform_indices = @transform_2, window_bounds = array<i64: 128, 64>}, {transform_indices = @transform_3, window_bounds = array<i64: 2000, 64>}, {transform_indices = @transform_4, window_bounds = array<i64: 2000, 64>}]} {
    %get3A = arith.constant 0 : index
    %get3A_0 = arith.constant 0 : index
    %get3A_1 = vector.load %arg1[%get3A, %get3A_0] : memref<2000x128xf32, #tpu.memory_space<vmem>>, vector<2000x128xf32>
    %get3A_2 = arith.constant 0 : index
    %get3A_3 = arith.constant 0 : index
    %get3A_4 = vector.load %arg2[%get3A_2, %get3A_3] : memref<128x64xf32, #tpu.memory_space<vmem>>, vector<128x64xf32>
    %dot_general3A = arith.constant dense<0.000000e+00> : vector<2000x64xf32>
    %dot_general3A_5 = tpu.matmul %get3A_1, %get3A_4, %dot_general3A {dimension_numbers = #tpu.dot_dimension_numbers<[1], [0], [0], [1], [0, 0, 1, 1], [], []>, transpose_lhs_hint = false} : vector<2000x128xf32>, vector<128x64xf32>, vector<2000x64xf32> -> vector<2000x64xf32>
    %swap3A = arith.constant 0 : index
    %swap3A_6 = arith.constant 0 : index
    %swap3A_7 = vector.load %arg4[%swap3A, %swap3A_6] : memref<2000x64xf32, #tpu.memory_space<vmem>>, vector<2000x64xf32>
    tpu.vector_store %arg4[%swap3A, %swap3A_6], %dot_general3A_5 {strides = array<i32>} : memref<2000x64xf32, #tpu.memory_space<vmem>>, vector<2000x64xf32>,
    %get3A_8 = arith.constant 0 : index
    %get3A_9 = arith.constant 0 : index
    %get3A_10 = vector.load %arg3[%get3A_8, %get3A_9] : memref<128x64xf32, #tpu.memory_space<vmem>>, vector<128x64xf32>
    %dot_general3A_11 = arith.constant dense<0.000000e+00> : vector<2000x64xf32>
    %dot_general3A_12 = tpu.matmul %get3A_1, %get3A_10, %dot_general3A_11 {dimension_numbers = #tpu.dot_dimension_numbers<[1], [0], [0], [1], [0, 0, 1, 1], [], []>, transpose_lhs_hint = false} : vector<2000x128xf32>, vector<128x64xf32>, vector<2000x64xf32> -> vector<2000x64xf32>
    %swap3A_13 = arith.constant 0 : index
    %swap3A_14 = arith.constant 0 : index
    %swap3A_15 = vector.load %arg5[%swap3A_13, %swap3A_14] : memref<2000x64xf32, #tpu.memory_space<vmem>>, vector<2000x64xf32>
    tpu.vector_store %arg5[%swap3A_13, %swap3A_14], %dot_general3A_12 {strides = array<i32>} : memref<2000x64xf32, #tpu.memory_space<vmem>>, vector<2000x64xf32>,
    return
  }
  func.func @transform_0(%arg0: i32) -> (i32, i32) {
    %c0_i32 = arith.constant 0 : i32
    %c0_i32_0 = arith.constant 0 : i32
    return %arg0, %c0_i32 : i32, i32
  }
  func.func @transform_1(%arg0: i32) -> (i32, i32) {
    %c0_i32 = arith.constant 0 : i32
    %c0_i32_0 = arith.constant 0 : i32
    %c0_i32_1 = arith.constant 0 : i32
    return %c0_i32, %c0_i32_0 : i32, i32
  }
  func.func @transform_2(%arg0: i32) -> (i32, i32) {
    %c0_i32 = arith.constant 0 : i32
    %c0_i32_0 = arith.constant 0 : i32
    %c0_i32_1 = arith.constant 0 : i32
    return %c0_i32, %c0_i32_0 : i32, i32
  }
  func.func @transform_3(%arg0: i32) -> (i32, i32) {
    %c0_i32 = arith.constant 0 : i32
    %c0_i32_0 = arith.constant 0 : i32
    return %arg0, %c0_i32 : i32, i32
  }
  func.func @transform_4(%arg0: i32) -> (i32, i32) {
    %c0_i32 = arith.constant 0 : i32
    %c0_i32_0 = arith.constant 0 : i32
    return %arg0, %c0_i32 : i32, i32
  }
}

module attributes {stable_mosaic.version = 14 : i64} {
  func.func @_tc2_body(%arg0: i32, %arg1: memref<2x2000x64xf32, #tpu.memory_space<vmem>>, %arg2: memref<2000x2xf32, #tpu.memory_space<vmem>>, %arg3: memref<2000x64xf32, #tpu.memory_space<vmem>>, %arg4: memref<1x64xf32, #tpu.memory_space<vmem>>, %arg5: memref<64x64xf32, #tpu.memory_space<vmem>>, %arg6: memref<64x64xf32, #tpu.memory_space<vmem>>, %arg7: memref<2000x64xf32, #tpu.memory_space<vmem>>, %arg8: memref<2000x64xf32, #tpu.memory_space<vmem>>) attributes {dimension_semantics = [#tpu.dimension_semantics<arbitrary>], iteration_bounds = array<i64: 5>, scalar_prefetch = 0 : i64, scratch_operands = 0 : i64, tpu.core_type = #tpu.core_type<tc>, window_params = [{transform_indices = @transform_0, window_bounds = array<i64: 2, 2000, 64>}, {transform_indices = @transform_1, window_bounds = array<i64: 2000, 2>}, {transform_indices = @transform_2, window_bounds = array<i64: 2000, 64>}, {pipeline_mode = #tpu.pipeline_mode<synchronous>, transform_indices = @transform_3, window_bounds = array<i64: 1, 64>}, {pipeline_mode = #tpu.pipeline_mode<synchronous>, transform_indices = @transform_4, window_bounds = array<i64: 64, 64>}, {pipeline_mode = #tpu.pipeline_mode<synchronous>, transform_indices = @transform_5, window_bounds = array<i64: 64, 64>}, {transform_indices = @transform_6, window_bounds = array<i64: 2000, 64>}, {transform_indices = @transform_7, window_bounds = array<i64: 2000, 64>}]} {
    %get3A = arith.constant 0 : index
    %get3A_0 = arith.constant 0 : index
    %get3A_1 = arith.constant 0 : index
    %get3A_2 = vector.load %arg1[%get3A, %get3A_0, %get3A_1] : memref<2x2000x64xf32, #tpu.memory_space<vmem>>, vector<1x2000x64xf32>
    %get3A_3 = vector.shape_cast %get3A_2 : vector<1x2000x64xf32> to vector<2000x64xf32>
    %get3A_4 = arith.constant 1 : index
    %get3A_5 = arith.constant 0 : index
    %get3A_6 = arith.constant 0 : index
    %get3A_7 = vector.load %arg1[%get3A_4, %get3A_5, %get3A_6] : memref<2x2000x64xf32, #tpu.memory_space<vmem>>, vector<1x2000x64xf32>
    %get3A_8 = vector.shape_cast %get3A_7 : vector<1x2000x64xf32> to vector<2000x64xf32>
    %add3A = arith.addf %get3A_3, %get3A_8 : vector<2000x64xf32>
    %get3A_9 = arith.constant 0 : index
    %get3A_10 = arith.constant 0 : index
    %get3A_11 = vector.load %arg2[%get3A_9, %get3A_10] : memref<2000x2xf32, #tpu.memory_space<vmem>>, vector<2000x1xf32>
    %get3A_12 = vector.shape_cast %get3A_11 : vector<2000x1xf32> to vector<2000xf32>
    %get3A_13 = arith.constant 0 : index
    %get3A_14 = arith.constant 1 : index
    %get3A_15 = vector.load %arg2[%get3A_13, %get3A_14] : memref<2000x2xf32, #tpu.memory_space<vmem>>, vector<2000x1xf32>
    %get3A_16 = vector.shape_cast %get3A_15 : vector<2000x1xf32> to vector<2000xf32>
    %add3A_17 = arith.addf %get3A_12, %get3A_16 : vector<2000xf32>
    %max3A = arith.constant 1.000000e+00 : f32
    %max3A_18 = vector.broadcast %max3A : f32 to vector<2000xf32>
    %max3A_19 = arith.maximumf %add3A_17, %max3A_18 : vector<2000xf32>
    %broadcast_in_dim3A = vector.shape_cast %max3A_19 : vector<2000xf32> to vector<2000x1xf32>
    %div3A = vector.broadcast %broadcast_in_dim3A : vector<2000x1xf32> to vector<2000x64xf32>
    %div3A_20 = arith.divf %add3A, %div3A : vector<2000x64xf32>
    %get3A_21 = arith.constant 0 : index
    %get3A_22 = arith.constant 0 : index
    %get3A_23 = vector.load %arg4[%get3A_21, %get3A_22] : memref<1x64xf32, #tpu.memory_space<vmem>>, vector<1x64xf32>
    %get3A_24 = vector.shape_cast %get3A_23 : vector<1x64xf32> to vector<64xf32>
    %broadcast_in_dim3A_25 = vector.shape_cast %get3A_24 : vector<64xf32> to vector<1x64xf32>
    %add3A_26 = vector.broadcast %broadcast_in_dim3A_25 : vector<1x64xf32> to vector<2000x64xf32>
    %add3A_27 = arith.addf %div3A_20, %add3A_26 : vector<2000x64xf32>
    %get3A_28 = arith.constant 0 : index
    %get3A_29 = arith.constant 0 : index
    %get3A_30 = vector.load %arg3[%get3A_28, %get3A_29] : memref<2000x64xf32, #tpu.memory_space<vmem>>, vector<2000x64xf32>
    %add3A_31 = arith.addf %add3A_27, %get3A_30 : vector<2000x64xf32>
    %mul3A = arith.mulf %add3A_31, %add3A_31 : vector<2000x64xf32>
    %reduce_sum3A = arith.constant dense<0.000000e+00> : vector<2000xf32>
    %reduce_sum3A_32 = vector.multi_reduction <add>, %mul3A, %reduce_sum3A [1] : vector<2000x64xf32> to vector<2000xf32>
    %broadcast_in_dim3A_33 = vector.shape_cast %reduce_sum3A_32 : vector<2000xf32> to vector<2000x1xf32>
    %sqrt3A = math.sqrt %broadcast_in_dim3A_33 : vector<2000x1xf32>
    %max3A_34 = arith.constant 9.99999996E-13 : f32
    %max3A_35 = vector.broadcast %max3A_34 : f32 to vector<2000x1xf32>
    %max3A_36 = arith.maximumf %sqrt3A, %max3A_35 : vector<2000x1xf32>
    %div3A_37 = vector.broadcast %max3A_36 : vector<2000x1xf32> to vector<2000x64xf32>
    %div3A_38 = arith.divf %add3A_31, %div3A_37 : vector<2000x64xf32>
    %max3A_39 = arith.constant 0.000000e+00 : f32
    %max3A_40 = vector.broadcast %max3A_39 : f32 to vector<2000x64xf32>
    %max3A_41 = arith.maximumf %div3A_38, %max3A_40 : vector<2000x64xf32>
    %get3A_42 = arith.constant 0 : index
    %get3A_43 = arith.constant 0 : index
    %get3A_44 = vector.load %arg5[%get3A_42, %get3A_43] : memref<64x64xf32, #tpu.memory_space<vmem>>, vector<64x64xf32>
    %dot_general3A = arith.constant dense<0.000000e+00> : vector<2000x64xf32>
    %dot_general3A_45 = tpu.matmul %max3A_41, %get3A_44, %dot_general3A {dimension_numbers = #tpu.dot_dimension_numbers<[1], [0], [0], [1], [0, 0, 1, 1], [], []>, transpose_lhs_hint = false} : vector<2000x64xf32>, vector<64x64xf32>, vector<2000x64xf32> -> vector<2000x64xf32>
    %swap3A = arith.constant 0 : index
    %swap3A_46 = arith.constant 0 : index
    %swap3A_47 = vector.load %arg7[%swap3A, %swap3A_46] : memref<2000x64xf32, #tpu.memory_space<vmem>>, vector<2000x64xf32>
    tpu.vector_store %arg7[%swap3A, %swap3A_46], %dot_general3A_45 {strides = array<i32>} : memref<2000x64xf32, #tpu.memory_space<vmem>>, vector<2000x64xf32>,
    %get3A_48 = arith.constant 0 : index
    %get3A_49 = arith.constant 0 : index
    %get3A_50 = vector.load %arg6[%get3A_48, %get3A_49] : memref<64x64xf32, #tpu.memory_space<vmem>>, vector<64x64xf32>
    %dot_general3A_51 = arith.constant dense<0.000000e+00> : vector<2000x64xf32>
    %dot_general3A_52 = tpu.matmul %max3A_41, %get3A_50, %dot_general3A_51 {dimension_numbers = #tpu.dot_dimension_numbers<[1], [0], [0], [1], [0, 0, 1, 1], [], []>, transpose_lhs_hint = false} : vector<2000x64xf32>, vector<64x64xf32>, vector<2000x64xf32> -> vector<2000x64xf32>
    %swap3A_53 = arith.constant 0 : index
    %swap3A_54 = arith.constant 0 : index
    %swap3A_55 = vector.load %arg8[%swap3A_53, %swap3A_54] : memref<2000x64xf32, #tpu.memory_space<vmem>>, vector<2000x64xf32>
    tpu.vector_store %arg8[%swap3A_53, %swap3A_54], %dot_general3A_52 {strides = array<i32>} : memref<2000x64xf32, #tpu.memory_space<vmem>>, vector<2000x64xf32>,
    return
  }
  func.func @transform_0(%arg0: i32) -> (i32, i32, i32) {
    %c0_i32 = arith.constant 0 : i32
    %c0_i32_0 = arith.constant 0 : i32
    %c0_i32_1 = arith.constant 0 : i32
    return %c0_i32, %arg0, %c0_i32_0 : i32, i32, i32
  }
  func.func @transform_1(%arg0: i32) -> (i32, i32) {
    %c0_i32 = arith.constant 0 : i32
    %c0_i32_0 = arith.constant 0 : i32
    return %arg0, %c0_i32 : i32, i32
  }
  func.func @transform_2(%arg0: i32) -> (i32, i32) {
    %c0_i32 = arith.constant 0 : i32
    %c0_i32_0 = arith.constant 0 : i32
    return %arg0, %c0_i32 : i32, i32
  }
  func.func @transform_3(%arg0: i32) -> (i32, i32) {
    %c0_i32 = arith.constant 0 : i32
    %c0_i32_0 = arith.constant 0 : i32
    %c0_i32_1 = arith.constant 0 : i32
    return %c0_i32, %c0_i32_0 : i32, i32
  }
  func.func @transform_4(%arg0: i32) -> (i32, i32) {
    %c0_i32 = arith.constant 0 : i32
    %c0_i32_0 = arith.constant 0 : i32
    %c0_i32_1 = arith.constant 0 : i32
    return %c0_i32, %c0_i32_0 : i32, i32
  }
  func.func @transform_5(%arg0: i32) -> (i32, i32) {
    %c0_i32 = arith.constant 0 : i32
    %c0_i32_0 = arith.constant 0 : i32
    %c0_i32_1 = arith.constant 0 : i32
    return %c0_i32, %c0_i32_0 : i32, i32
  }
  func.func @transform_6(%arg0: i32) -> (i32, i32) {
    %c0_i32 = arith.constant 0 : i32
    %c0_i32_0 = arith.constant 0 : i32
    return %arg0, %c0_i32 : i32, i32
  }
  func.func @transform_7(%arg0: i32) -> (i32, i32) {
    %c0_i32 = arith.constant 0 : i32
    %c0_i32_0 = arith.constant 0 : i32
    return %arg0, %c0_i32 : i32, i32
  }
}

module attributes {stable_mosaic.version = 14 : i64} {
  func.func @_tc3_body(%arg0: i32, %arg1: memref<2x2000x64xf32, #tpu.memory_space<vmem>>, %arg2: memref<2000x2xf32, #tpu.memory_space<vmem>>, %arg3: memref<2000x64xf32, #tpu.memory_space<vmem>>, %arg4: memref<1x64xf32, #tpu.memory_space<vmem>>, %arg5: memref<64x32xf32, #tpu.memory_space<vmem>>, %arg6: memref<1x32xf32, #tpu.memory_space<vmem>>, %arg7: memref<32x1xf32, #tpu.memory_space<vmem>>, %arg8: memref<1x1xf32, #tpu.memory_space<vmem>>, %arg9: memref<2000x1xf32, #tpu.memory_space<vmem>>) attributes {dimension_semantics = [#tpu.dimension_semantics<arbitrary>], iteration_bounds = array<i64: 5>, scalar_prefetch = 0 : i64, scratch_operands = 0 : i64, tpu.core_type = #tpu.core_type<tc>, window_params = [{transform_indices = @transform_0, window_bounds = array<i64: 2, 2000, 64>}, {transform_indices = @transform_1, window_bounds = array<i64: 2000, 2>}, {transform_indices = @transform_2, window_bounds = array<i64: 2000, 64>}, {pipeline_mode = #tpu.pipeline_mode<synchronous>, transform_indices = @transform_3, window_bounds = array<i64: 1, 64>}, {pipeline_mode = #tpu.pipeline_mode<synchronous>, transform_indices = @transform_4, window_bounds = array<i64: 64, 32>}, {pipeline_mode = #tpu.pipeline_mode<synchronous>, transform_indices = @transform_5, window_bounds = array<i64: 1, 32>}, {pipeline_mode = #tpu.pipeline_mode<synchronous>, transform_indices = @transform_6, window_bounds = array<i64: 32, 1>}, {pipeline_mode = #tpu.pipeline_mode<synchronous>, transform_indices = @transform_7, window_bounds = array<i64: 1, 1>}, {transform_indices = @transform_8, window_bounds = array<i64: 2000, 1>}]} {
    %get3A = arith.constant 0 : index
    %get3A_0 = arith.constant 0 : index
    %get3A_1 = arith.constant 0 : index
    %get3A_2 = vector.load %arg1[%get3A, %get3A_0, %get3A_1] : memref<2x2000x64xf32, #tpu.memory_space<vmem>>, vector<1x2000x64xf32>
    %get3A_3 = vector.shape_cast %get3A_2 : vector<1x2000x64xf32> to vector<2000x64xf32>
    %get3A_4 = arith.constant 1 : index
    %get3A_5 = arith.constant 0 : index
    %get3A_6 = arith.constant 0 : index
    %get3A_7 = vector.load %arg1[%get3A_4, %get3A_5, %get3A_6] : memref<2x2000x64xf32, #tpu.memory_space<vmem>>, vector<1x2000x64xf32>
    %get3A_8 = vector.shape_cast %get3A_7 : vector<1x2000x64xf32> to vector<2000x64xf32>
    %add3A = arith.addf %get3A_3, %get3A_8 : vector<2000x64xf32>
    %get3A_9 = arith.constant 0 : index
    %get3A_10 = arith.constant 0 : index
    %get3A_11 = vector.load %arg2[%get3A_9, %get3A_10] : memref<2000x2xf32, #tpu.memory_space<vmem>>, vector<2000x1xf32>
    %get3A_12 = vector.shape_cast %get3A_11 : vector<2000x1xf32> to vector<2000xf32>
    %get3A_13 = arith.constant 0 : index
    %get3A_14 = arith.constant 1 : index
    %get3A_15 = vector.load %arg2[%get3A_13, %get3A_14] : memref<2000x2xf32, #tpu.memory_space<vmem>>, vector<2000x1xf32>
    %get3A_16 = vector.shape_cast %get3A_15 : vector<2000x1xf32> to vector<2000xf32>
    %add3A_17 = arith.addf %get3A_12, %get3A_16 : vector<2000xf32>
    %max3A = arith.constant 1.000000e+00 : f32
    %max3A_18 = vector.broadcast %max3A : f32 to vector<2000xf32>
    %max3A_19 = arith.maximumf %add3A_17, %max3A_18 : vector<2000xf32>
    %broadcast_in_dim3A = vector.shape_cast %max3A_19 : vector<2000xf32> to vector<2000x1xf32>
    %div3A = vector.broadcast %broadcast_in_dim3A : vector<2000x1xf32> to vector<2000x64xf32>
    %div3A_20 = arith.divf %add3A, %div3A : vector<2000x64xf32>
    %get3A_21 = arith.constant 0 : index
    %get3A_22 = arith.constant 0 : index
    %get3A_23 = vector.load %arg4[%get3A_21, %get3A_22] : memref<1x64xf32, #tpu.memory_space<vmem>>, vector<1x64xf32>
    %get3A_24 = vector.shape_cast %get3A_23 : vector<1x64xf32> to vector<64xf32>
    %broadcast_in_dim3A_25 = vector.shape_cast %get3A_24 : vector<64xf32> to vector<1x64xf32>
    %add3A_26 = vector.broadcast %broadcast_in_dim3A_25 : vector<1x64xf32> to vector<2000x64xf32>
    %add3A_27 = arith.addf %div3A_20, %add3A_26 : vector<2000x64xf32>
    %get3A_28 = arith.constant 0 : index
    %get3A_29 = arith.constant 0 : index
    %get3A_30 = vector.load %arg3[%get3A_28, %get3A_29] : memref<2000x64xf32, #tpu.memory_space<vmem>>, vector<2000x64xf32>
    %add3A_31 = arith.addf %add3A_27, %get3A_30 : vector<2000x64xf32>
    %mul3A = arith.mulf %add3A_31, %add3A_31 : vector<2000x64xf32>
    %reduce_sum3A = arith.constant dense<0.000000e+00> : vector<2000xf32>
    %reduce_sum3A_32 = vector.multi_reduction <add>, %mul3A, %reduce_sum3A [1] : vector<2000x64xf32> to vector<2000xf32>
    %broadcast_in_dim3A_33 = vector.shape_cast %reduce_sum3A_32 : vector<2000xf32> to vector<2000x1xf32>
    %sqrt3A = math.sqrt %broadcast_in_dim3A_33 : vector<2000x1xf32>
    %max3A_34 = arith.constant 9.99999996E-13 : f32
    %max3A_35 = vector.broadcast %max3A_34 : f32 to vector<2000x1xf32>
    %max3A_36 = arith.maximumf %sqrt3A, %max3A_35 : vector<2000x1xf32>
    %div3A_37 = vector.broadcast %max3A_36 : vector<2000x1xf32> to vector<2000x64xf32>
    %div3A_38 = arith.divf %add3A_31, %div3A_37 : vector<2000x64xf32>
    %get3A_39 = arith.constant 0 : index
    %get3A_40 = arith.constant 0 : index
    %get3A_41 = vector.load %arg5[%get3A_39, %get3A_40] : memref<64x32xf32, #tpu.memory_space<vmem>>, vector<64x32xf32>
    %dot_general3A = arith.constant dense<0.000000e+00> : vector<2000x32xf32>
    %dot_general3A_42 = tpu.matmul %div3A_38, %get3A_41, %dot_general3A {dimension_numbers = #tpu.dot_dimension_numbers<[1], [0], [0], [1], [0, 0, 1, 1], [], []>, transpose_lhs_hint = false} : vector<2000x64xf32>, vector<64x32xf32>, vector<2000x32xf32> -> vector<2000x32xf32>
    %get3A_43 = arith.constant 0 : index
    %get3A_44 = arith.constant 0 : index
    %get3A_45 = vector.load %arg6[%get3A_43, %get3A_44] : memref<1x32xf32, #tpu.memory_space<vmem>>, vector<1x32xf32>
    %get3A_46 = vector.shape_cast %get3A_45 : vector<1x32xf32> to vector<32xf32>
    %broadcast_in_dim3A_47 = vector.shape_cast %get3A_46 : vector<32xf32> to vector<1x32xf32>
    %add3A_48 = vector.broadcast %broadcast_in_dim3A_47 : vector<1x32xf32> to vector<2000x32xf32>
    %add3A_49 = arith.addf %dot_general3A_42, %add3A_48 : vector<2000x32xf32>
    %max3A_50 = arith.constant 0.000000e+00 : f32
    %max3A_51 = vector.broadcast %max3A_50 : f32 to vector<2000x32xf32>
    %max3A_52 = arith.maximumf %add3A_49, %max3A_51 : vector<2000x32xf32>
    %get3A_53 = arith.constant 0 : index
    %get3A_54 = arith.constant 0 : index
    %get3A_55 = vector.load %arg7[%get3A_53, %get3A_54] : memref<32x1xf32, #tpu.memory_space<vmem>>, vector<32x1xf32>
    %dot_general3A_56 = arith.constant dense<0.000000e+00> : vector<2000x1xf32>
    %dot_general3A_57 = tpu.matmul %max3A_52, %get3A_55, %dot_general3A_56 {dimension_numbers = #tpu.dot_dimension_numbers<[1], [0], [0], [1], [0, 0, 1, 1], [], []>, transpose_lhs_hint = false} : vector<2000x32xf32>, vector<32x1xf32>, vector<2000x1xf32> -> vector<2000x1xf32>
    %get3A_58 = arith.constant 0 : index
    %get3A_59 = arith.constant 0 : index
    %get3A_60 = vector.load %arg8[%get3A_58, %get3A_59] : memref<1x1xf32, #tpu.memory_space<vmem>>, vector<1x1xf32>
    %get3A_61 = vector.extract %get3A_60[0, 0] : f32 from vector<1x1xf32>
    %add3A_62 = vector.broadcast %get3A_61 : f32 to vector<2000x1xf32>
    %add3A_63 = arith.addf %dot_general3A_57, %add3A_62 : vector<2000x1xf32>
    %swap3A = arith.constant 0 : index
    %swap3A_64 = arith.constant 0 : index
    %swap3A_65 = vector.load %arg9[%swap3A, %swap3A_64] : memref<2000x1xf32, #tpu.memory_space<vmem>>, vector<2000x1xf32>
    tpu.vector_store %arg9[%swap3A, %swap3A_64], %add3A_63 {strides = array<i32>} : memref<2000x1xf32, #tpu.memory_space<vmem>>, vector<2000x1xf32>,
    return
  }
  func.func @transform_0(%arg0: i32) -> (i32, i32, i32) {
    %c0_i32 = arith.constant 0 : i32
    %c0_i32_0 = arith.constant 0 : i32
    %c0_i32_1 = arith.constant 0 : i32
    return %c0_i32, %arg0, %c0_i32_0 : i32, i32, i32
  }
  func.func @transform_1(%arg0: i32) -> (i32, i32) {
    %c0_i32 = arith.constant 0 : i32
    %c0_i32_0 = arith.constant 0 : i32
    return %arg0, %c0_i32 : i32, i32
  }
  func.func @transform_2(%arg0: i32) -> (i32, i32) {
    %c0_i32 = arith.constant 0 : i32
    %c0_i32_0 = arith.constant 0 : i32
    return %arg0, %c0_i32 : i32, i32
  }
  func.func @transform_3(%arg0: i32) -> (i32, i32) {
    %c0_i32 = arith.constant 0 : i32
    %c0_i32_0 = arith.constant 0 : i32
    %c0_i32_1 = arith.constant 0 : i32
    return %c0_i32, %c0_i32_0 : i32, i32
  }
  func.func @transform_4(%arg0: i32) -> (i32, i32) {
    %c0_i32 = arith.constant 0 : i32
    %c0_i32_0 = arith.constant 0 : i32
    %c0_i32_1 = arith.constant 0 : i32
    return %c0_i32, %c0_i32_0 : i32, i32
  }
  func.func @transform_5(%arg0: i32) -> (i32, i32) {
    %c0_i32 = arith.constant 0 : i32
    %c0_i32_0 = arith.constant 0 : i32
    %c0_i32_1 = arith.constant 0 : i32
    return %c0_i32, %c0_i32_0 : i32, i32
  }
  func.func @transform_6(%arg0: i32) -> (i32, i32) {
    %c0_i32 = arith.constant 0 : i32
    %c0_i32_0 = arith.constant 0 : i32
    %c0_i32_1 = arith.constant 0 : i32
    return %c0_i32, %c0_i32_0 : i32, i32
  }
  func.func @transform_7(%arg0: i32) -> (i32, i32) {
    %c0_i32 = arith.constant 0 : i32
    %c0_i32_0 = arith.constant 0 : i32
    %c0_i32_1 = arith.constant 0 : i32
    return %c0_i32, %c0_i32_0 : i32, i32
  }
  func.func @transform_8(%arg0: i32) -> (i32, i32) {
    %c0_i32 = arith.constant 0 : i32
    %c0_i32_0 = arith.constant 0 : i32
    return %arg0, %c0_i32 : i32, i32
  }
}

</mosaic_0001>

<sc_bundles>
// kernel: kernel.10.cloned.1.call-start
scs
__scs_entry_jumppad:
0x0: {  	(pc) =	sbr.rel $0x88, $3  }
0x1: {  	(tag) =	ssettag $0x0;
	lr =	simm.s32 $0x1  }
0x2: {  	[smem:$0x3F95] =	sst lr;
	_ =	strace $0xD0000000  }
0x3: {  	_ = 	snop  }
0x4: {  	_ = 	snop  }
0x5: {  	_ = 	snop  }
0x6: {  	_ = 	snop  }
0x7: {  	_ = 	snop  }
__scs_overlays_trampoline_lowered:
0x8: {  	[smem:$0x3FA4] =	sst s0  }
0x9: {  	[smem:$0x3FA5] =	sst s1  }
0xa: {  	[smem:$0x3FA6] =	sst s2  }
0xb: {  	[smem:$0x3FA7] =	sst s3  }
0xc: {  	[smem:$0x3FA8] =	sst s4  }
0xd: {  	[smem:$0x3FA9] =	sst s5  }
0xe: {  	[smem:$0x3FAA] =	sst s6  }
0xf: {  	[smem:$0x3FAB] =	sst s7  }
0x10: {  	[smem:$0x3FAC] =	sst s8  }
0x11: {  	[smem:$0x3FAD] =	sst s9;
	s0 =	simm.s32 @!p0 $0x0  }
0x12: {  	s1 =	sld [smem:$0x3F93];
	s0 =	simm.s32 @p0 $0x1  }
0x13: {  	[smem:$0x3FAE] =	sst s0;
	s0 =	simm.s32 @!p1 $0x0  }
0x14: {  	s2 =	sld [smem:$0x3F92];
	s0 =	simm.s32 @p1 $0x1  }
0x15: {  	[smem:$0x3FAF] =	sst s0;
	s0 =	simm.s32 @!p2 $0x0  }
0x16: {  	s3 =	sld [smem:$0x3FDB];
	s0 =	simm.s32 @p2 $0x1  }
0x17: {  	s4 =	simm.s32 $0x1BF5;
	[smem:$0x3FB1] =	sst s0  }
0x18: {  	s0 =	sld [smem:$0x3F94];
	_ =	swait.ge [sflag:s4], $0x0  }
0x19: {  	s7 =	sld [smem:$0x3F95]  }
0x1a: {  	s8 =	sadd.s32 $0xFFFFE003, lr  }
0x1b: {  	s9 =	sadd.s32 $0xFFFFFEF7, lr;
	s5 =	simm.s32 $0xFFFFFFFF;
	p2 =	slt.u32 s8, $0xFFFFF086  }
0x1c: {  	p1 =	slt.u32 s9, $0xF7A;
	s5 =	simm.s32 @!p2 $0x0  }
0x1d: {  	s5 =	simm.s32 @p1 $0x1;
	p0 =	seq.s32 s7, s2  }
0x1e: {  	s7 =	smul.u32 @!p0 $0xF7A, s2;
	p2 =	seq.s32 @!p0 s5, $0x0  }
0x1f: {  	s9 =	smul.u32 $0xF7A, s1;
	s8 =	simm.s32 @!p0 $0x1BF5;
	p2 =	por !p2, p0  }
0x20: {  	[sflag:s8] =	ssyncset.s32 @!p0 $0xFFFFF086;
	s6 =	sadd.s32 @!p0 s3, s7;
	s7 =	simm.s32 @!p0 $0x108  }
0x21: {  	s3 =	sadd.s32 s3, s9;
	s6 =	sadd.s32 @!p0 $0x88, s6;
	s7 =	simm.s32 @p2 $0x1082  }
0x22: {  	[simem:s7], [sflag:s8] =	dma.local @!p0 [hbm:s6], $0xF7A  }
0x23: {  	s9 =	sor.u32 $0xD0000000, s2;
	s6 =	simm.s32 $0x108;
	_ =	swait.ge @!p0 [sflag:s8], $0x0  }
0x24: {  	s3 =	sadd.s32 $0x88, s3;
	s6 =	simm.s32 @!p1 $0x1082;
	[sflag:s4] =	ssyncset.s32 $0xFFFFF086  }
0x25: {  	[simem:s6], [sflag:s4] =	dma.local [hbm:s3], $0xF7A  }
0x26: {  	[smem:$0x3F95] =	sst s1;
	(tag) =	ssettag s2;
	_ =	strace s9  }
0x27: {  	s1 =	sld [smem:$0x3FA5]  }
0x28: {  	s2 =	sld [smem:$0x3FA6]  }
0x29: {  	s4 =	sld [smem:$0x3FA8]  }
0x2a: {  	p0 =	seq.s32 s5, $0x0;
	s5 =	sld [smem:$0x3FA9]  }
0x2b: {  	s6 =	sld [smem:$0x3FAA]  }
0x2c: {  	s7 =	sld [smem:$0x3FAB]  }
0x2d: {  	s3 =	simm.s32 $0x108;
	s8 =	sld [smem:$0x3FAC]  }
0x2e: {  	s3 =	simm.s32 @!p0 $0x1082;
	s9 =	sld [smem:$0x3FAD]  }
0x2f: {  	lr =	sadd.s32 s0, s3;
	s0 =	sld [smem:$0x3FA4]  }
0x30: {  	s3 =	sld [smem:$0x3FA7]  }
0x31: {  	[smem:$0x3FB0] =	sst s10  }
0x32: {  	s10 =	sld [smem:$0x3FAE];
	_ =	sdelay $0x3  }
0x33: {  	p0 =	seq.s32 s10, $0x1;
	s10 =	sld [smem:$0x3FB0];
	_ =	sdelay $0x3  }
0x34: {  	[smem:$0x3FB0] =	sst s10  }
0x35: {  	s10 =	sld [smem:$0x3FAF];
	_ =	sdelay $0x3  }
0x36: {  	p1 =	seq.s32 s10, $0x1;
	s10 =	sld [smem:$0x3FB0];
	_ =	sdelay $0x3  }
0x37: {  	[smem:$0x3FB0] =	sst s10  }
0x38: {  	s10 =	sld [smem:$0x3FB1]  }
0x39: {  	_ = 	snop;
	(pc) =	sbr.ind lr, $3  }
0x3a: {  	_ = 	snop  }
0x3b: {  	_ = 	snop  }
0x3c: {  	p2 =	seq.s32 s10, $0x1;
	s10 =	sld [smem:$0x3FB0]  }
0x3d: {  	_ =	shalt  }
0x3e: {  	_ =	shalt  }
0x3f: {  	_ =	shalt  }
0x40: {  	_ =	shalt  }
0x41: {  	_ =	shalt  }
0x42: {  	_ =	shalt  }
0x43: {  	_ =	shalt  }
0x44: {  	_ =	shalt  }
0x45: {  	_ =	shalt  }
0x46: {  	_ =	shalt  }
0x47: {  	_ =	shalt  }
0x48: {  	_ =	shalt  }
0x49: {  	_ =	shalt  }
0x4a: {  	_ =	shalt  }
0x4b: {  	_ =	shalt  }
0x4c: {  	_ =	shalt  }
0x4d: {  	_ =	shalt  }
0x4e: {  	_ =	shalt  }
0x4f: {  	_ =	shalt  }
0x50: {  	_ =	shalt  }
0x51: {  	_ =	shalt  }
0x52: {  	_ =	shalt  }
0x53: {  	_ =	shalt  }
0x54: {  	_ =	shalt  }
0x55: {  	_ =	shalt  }
0x56: {  	_ =	shalt  }
0x57: {  	_ =	shalt  }
0x58: {  	_ =	shalt  }
0x59: {  	_ =	shalt  }
0x5a: {  	_ =	shalt  }
0x5b: {  	_ =	shalt  }
0x5c: {  	_ =	shalt  }
0x5d: {  	_ =	shalt  }
0x5e: {  	_ =	shalt  }
0x5f: {  	_ =	shalt  }
0x60: {  	_ =	shalt  }
0x61: {  	_ =	shalt  }
0x62: {  	_ =	shalt  }
0x63: {  	_ =	shalt  }
0x64: {  	_ =	shalt  }
0x65: {  	_ =	shalt  }
0x66: {  	_ =	shalt  }
0x67: {  	_ =	shalt  }
0x68: {  	_ =	shalt  }
0x69: {  	_ =	shalt  }
0x6a: {  	_ =	shalt  }
0x6b: {  	_ =	shalt  }
0x6c: {  	_ =	shalt  }
0x6d: {  	_ =	shalt  }
0x6e: {  	_ =	shalt  }
0x6f: {  	_ =	shalt  }
0x70: {  	_ =	shalt  }
0x71: {  	_ =	shalt  }
0x72: {  	_ =	shalt  }
0x73: {  	_ =	shalt  }
0x74: {  	_ =	shalt  }
0x75: {  	_ =	shalt  }
0x76: {  	_ =	shalt  }
0x77: {  	_ =	shalt  }
0x78: {  	_ =	shalt  }
0x79: {  	_ =	shalt  }
0x7a: {  	_ =	shalt  }
0x7b: {  	_ =	shalt  }
0x7c: {  	_ =	shalt  }
0x7d: {  	_ =	shalt  }
0x7e: {  	_ =	shalt  }
0x7f: {  	_ =	shalt  }
0x80: {  	_ =	shalt  }
0x81: {  	_ =	shalt  }
0x82: {  	_ =	shalt  }
0x83: {  	_ =	shalt  }
0x84: {  	_ =	shalt  }
0x85: {  	_ =	shalt  }
0x86: {  	_ =	shalt  }
0x87: {  	_ =	shalt  }
.Lfunc_end0:
.L_simem_size_0:
called_computation.1_lowered:
.L_overlay_start_0:
0x88: {  	s2 =	sld [smem:$0x3FD9]  }
0x89: {  	s3 =	sld [smem:$0x3FFE];
	_ =	sdelay $0x1  }
0x8a: {  	s1 =	srdreg.scid  }
0x8b: {  	s0 =	sand.u32 $0x1, s1  }
0x8c: {  	s16 =	sshll.u32 s0, $0xA;
	s2 =	sadd.s32 s3, s2  }
0x8d: {  	s2 =	sadd.s32 s2, s16  }
0x8e: {  	[smem:$0x3FBC] =	sst s2  }
0x8f: {  	_ = 	snop  }
0x90: {  	(tm) =	ssettm $0x1  }
0x91: {  	s17 =	sld [smem:$0x3FFB];
	_ =	sdelay $0x3  }
0x92: {  	_ =	strace s17  }
0x93: {  	s2 =	sld [smem:$0x3FFC];
	_ =	sdelay $0x3  }
0x94: {  	_ =	strace s2  }
0x95: {  	s2 =	sld [smem:$0x3FFD];
	_ =	sdelay $0x3  }
0x96: {  	_ =	strace s2  }
0x97: {  	_ =	strace $0x8FFFFFFF  }
0x98: {  	s18 =	sld [smem:$0x3FDB];
	_ =	sdelay $0x1  }
0x99: {  	s19 =	simm.s32 $_scs_section_size  }
0x9a: {  	s4 =	simm.s32 $_size__tile_overlayer_lowered;
	s5 =	simm.s32 $_tile_overlayer_lowered  }
0x9b: {  	s22 =	simm.s32 $0x1BFF;
	s21 =	sshll.u32 s5, $0x1;
	s2 =	sadd.s32 s19, s18  }
0x9c: {  	s6 =	simm.s32 $0x0;
	s20 =	sshll.u32 s4, $0x1;
	s4 =	sadd.s32 s21, s2  }
0x9d: {  	[timem:s6], [sflag:s22] =	dma.local [hbm:s4], s20  }
0x9e: {  	_ =	swait.ge [sflag:s22], s20  }
0x9f: {  	s3 =	ssub.s32 $0x0, s20;
	[sflag:s22] =	ssyncset.done $0x0  }
0xa0: {  	[sflag:s22] =	ssyncadd.s32 s3;
	_ =	sdelay $0x1  }
0xa1: {  	s23 =	simm.s32 $0x1B8B  }
0xa2: {  	_ =	swait.ge [sflag:s23], $0x1  }
0xa3: {  	[sflag:s23] =	ssyncset.done $0x0  }
0xa4: {  	s25 =	simm.s32 $0x1B8E;
	s24 =	sld [smem:$0x3FFE];
	[sflag:s23] =	ssyncadd.s32 $0xFFFFFFFF  }
0xa5: {  	s26 =	simm.s32 $execute0_lowered;
	[smem:$0x3FD2] =	sst s25  }
0xa6: {  	s4 =	sshll.u32 s26, $0x1;
	_ =	strace $0x80000049;
	[dreg:$0x1] =	wrdreg $0xFFFFFFFF  }
0xa7: {  	s28 =	simm.s32 $_size_execute0_lowered;
	s2 =	sadd.s32 s2, s4;
	[dreg:$0x0] =	wrdreg $0x0  }
0xa8: {  	s4 =	sshll.u32 s28, $0x1;
	[dreg:$0x2] =	wrdreg s2  }
0xa9: {  	[dreg:$0x3] =	wrdreg s4  }
0xaa: {  	[dreg:$0x4] =	wrdreg $0xC0  }
0xab: {  	_ =	task [dreg:s6], $0x5FFFF  }
0xac: {  	[dreg:$0x1] =	wrdreg $0xFFFFFFFF  }
0xad: {  	[dreg:$0x0] =	wrdreg $0x60  }
0xae: {  	[dreg:$0x2] =	wrdreg s24  }
0xaf: {  	[dreg:$0x3] =	wrdreg $0xB2200  }
0xb0: {  	[dreg:$0x4] =	wrdreg $0x150200  }
0xb1: {  	[dreg:$0x5] =	wrdreg $0x9  }
0xb2: {  	_ =	task.clear_ibuf [dreg:s6], $0x6FFFF;
	_ =	strace $0x90000049  }
0xb3: {  	s29 =	simm.s32 $0x9;
	_ =	strace $0x8000004B  }
0xb4: {  	_ =	swait.ge [sflag:s29], $0x1  }
0xb5: {  	[sflag:s29] =	ssyncadd.s32 $0xFFFFFFFF  }
0xb6: {  	_ =	strace $0x9000004B  }
0xb7: {  	_ =	sfence  }
0xb8: {  	s30 =	sld [smem:$0x0];
	_ =	sdelay $0x2  }
0xb9: {  	s31 =	sshll.u32 s1, $0xD;
	s1 =	sshrl.u32 s1, $0x2  }
0xba: {  	s3 =	sand.u32 $0x4000, s31;
	s1 =	sadd.s32 s1, s30  }
0xbb: {  	s0 =	sor.u32 s3, s0;
	s1 =	sshll.u32 s1, $0x11  }
0xbc: {  	s0 =	sor.u32 s1, s0  }
0xbd: {  	s0 =	sadd.s32 $0x8F2B, s0  }
0xbe: {  	[sflag:s0] =	ssyncadd.remote.s32 $0x1  }
0xbf: {  	_ =	sfence.sel $0xFFFF  }
0xc0: {  	[dreg:$0x0] =	wrdreg $0xFFFFFFFF;
	(pc) =	sbr.abs _section_cstart, $3  }
0xc1: {  	[dreg:$0x1] =	wrdreg $0xFFFFFFFF  }
0xc2: {  	_ =	task.clear_ibuf [dreg:s6], $0x2FFFF;
	_ =	strace $0x9FFFFFFF  }
0xc3: {  	(tm) =	ssettm $0x7FFFFFFF  }
tec
execute0_lowered:
.L_overlay_start_1:
0x0: {  	(tag) =	ssettag $0x1  }
0x1: {  	s0 =	srdreg.scid;
	s1 =	rddreg [dreg:$0x0]  }
0x2: {  	s20 =	stileid.u32;
	s2 =	rddreg [dreg:$0x1];
	s5 =	simm.s32 $0x0  }
0x3: {  	s28 =	simm.s32 $0xC8;
	s29 =	simm.s32 $0x8020;
	s30 =	simm.s32 $0x1  }
0x4: {  	s31 =	simm.s32 $0x2;
	s0 =	sand.u32 $0x1, s0;
	s7 =	smul.u32 $0xA000, s20  }
0x5: {  	s3 =	sshll.u32 s20, $0x1;
	[smem:$0x7FF] =	sst s5;
	s11 =	smul.u32 $0x9E00, s20  }
0x6: {  	s10 =	sadd.s32 $0x28E00, s1;
	s13 =	smul.u32 $0x27800, s20;
	p0 =	seq.s32 s20, $0xF  }
0x7: {  	s20 =	simm.s32 $0x4E20;
	s4 =	sor.u32 s0, s3;
	s3 =	rddreg [dreg:$0x2]  }
0x8: {  	_ =	strace $0x8000004A;
	s22 =	ssub.s32 $0x2, s0;
	s0 =	smul.u32 $0x9C400, s0  }
0x9: {  	s4 =	smul.u32 $0x4E2, s4;
	s21 =	sshrl.u32 s7, $0x3;
	s6 =	sshrl.u32 s22, $0x1  }
0xa: {  	s26 =	sshrl.u32 s13, $0x2;
	s8 =	sadd.s32 s21, s1;
	s12 =	ssub.s32 s22, s6  }
0xb: {  	s25 =	sadd.s32 s11, s0;
	s22 =	sadd.s32 $0x96000, s3;
	s0 =	sshrl.u32 s0, $0x3  }
0xc: {  	s21 =	simm.s32 $0x3;
	s4 =	sadd.s32 s4, s1;
	s24 =	sadd.s32 $0x15400, s8  }
0xd: {  	s9 =	sshrl.u32 s25, $0x3;
	s8 =	sadd.s32 $0x28000, s1;
	s1 =	sadd.s32 s11, s2  }
0xe: {  	s0 =	sadd.s32 s10, s0;
	s11 =	sadd.s32 s26, s2;
	s12 =	smax.u32 s12, $0x1  }
0xf: {  	s22 =	sshrl.u32 @p0 s22, $0x3;
	s23 =	sadd.s32 $0xB600, s4;
	s4 =	sadd.s32 $0x1800, s4  }
0x10: {  	[dreg:$0x6] =	wrdreg s24;
	s9 =	sadd.s32 s10, s9;
	s10 =	sadd.s32 $0x12840, s0  }
0x11: {  	s0 =	sadd.s32 $0x94200, s2;
	s13 =	sadd.s32 $0x13C0, s11;
	s14 =	sadd.s32 $0x2780, s11  }
0x12: {  	s15 =	sadd.s32 $0x3B40, s11;
	s16 =	sadd.s32 $0x4F00, s11;
	s17 =	sadd.s32 $0x62C0, s11  }
0x13: {  	s18 =	sadd.s32 $0x7680, s11;
	s19 =	sadd.s32 $0x8A40, s11;
	s25 =	sshrl.u32 @!p0 s1, $0x3  }
0x14: {  	s1 =	simm.s32 $0x0;
	[dreg:$0x5] =	wrdreg s4;
	s4 =	sadd.s32 s7, s3  }
0x15: {  	v0 =	vimm.f32 $0.0e+00;
	[dreg:$0x4] =	wrdreg s23;
	s24 =	sshrl.u32 @p0 s0, $0x3;
	s23 =	sshrl.u32 @!p0 s4, $0x3  }
.LBB2_1:
0x16: {  	s26 =	simm.s32 $0x100;
	s0 =	simm.s32 $0x0  }
.LBB2_2:
0x17: {  	p1 =	sne.s32 s26, $0x4E00;
	[tilespmem:s0+$0x4E50] =	vst v0;
	s4 =	smov.u32 s26;
	s26 =	sadd.s32 $0x100, s26  }
.Ltmp0:
0x18: {  	[tilespmem:s0+$0x4E40] =	vst v0;
	(pc) =	sbr.rel @p1 .LBB2_2-.Ltmp0, $3  }
0x19: {  	[tilespmem:s0+$0x4E20] =	vst v0  }
0x1a: {  	[tilespmem:s0+$0x4E30] =	vst v0;
	_ =	sdelay $0x1  }
0x1b: {  	s0 =	sshra.s32 s4, $0x2  }
0x1c: {  	[tilespmem:s0+$0x4E50] =	vst v0  }
0x1d: {  	[tilespmem:s0+$0x4E40] =	vst v0  }
0x1e: {  	[tilespmem:s0+$0x4E20] =	vst v0  }
0x1f: {  	[tilespmem:s0+$0x4E30] =	vst v0  }
0x20: {  	[spmem:s11] =	stream.linear.scatter [tilespmem:s20], [sflag:$0x3], $0x13C0, $0x38;
	[tilespmem:$0x1EC60] =	vst v63  }
0x21: {  	_ =	swait.ge [sflag:s21], $0x13C0  }
0x22: {  	[sflag:s21] =	ssyncset.done $0x0  }
0x23: {  	[sflag:s21] =	ssyncadd.s32 $0xFFFFEC40  }
0x24: {  	[spmem:s13] =	stream.linear.scatter [tilespmem:s20], [sflag:$0x3], $0x13C0, $0x38;
	[tilespmem:$0x1EC60] =	vst v63  }
0x25: {  	_ =	swait.ge [sflag:s21], $0x13C0  }
0x26: {  	[sflag:s21] =	ssyncset.done $0x0  }
0x27: {  	[sflag:s21] =	ssyncadd.s32 $0xFFFFEC40  }
0x28: {  	[spmem:s14] =	stream.linear.scatter [tilespmem:s20], [sflag:$0x3], $0x13C0, $0x38;
	[tilespmem:$0x1EC60] =	vst v63  }
0x29: {  	_ =	swait.ge [sflag:s21], $0x13C0  }
0x2a: {  	[sflag:s21] =	ssyncset.done $0x0  }
0x2b: {  	[sflag:s21] =	ssyncadd.s32 $0xFFFFEC40  }
0x2c: {  	[spmem:s15] =	stream.linear.scatter [tilespmem:s20], [sflag:$0x3], $0x13C0, $0x38;
	[tilespmem:$0x1EC60] =	vst v63  }
0x2d: {  	_ =	swait.ge [sflag:s21], $0x13C0  }
0x2e: {  	[sflag:s21] =	ssyncset.done $0x0  }
0x2f: {  	[sflag:s21] =	ssyncadd.s32 $0xFFFFEC40  }
0x30: {  	[spmem:s16] =	stream.linear.scatter [tilespmem:s20], [sflag:$0x3], $0x13C0, $0x38;
	[tilespmem:$0x1EC60] =	vst v63  }
0x31: {  	_ =	swait.ge [sflag:s21], $0x13C0  }
0x32: {  	[sflag:s21] =	ssyncset.done $0x0  }
0x33: {  	[sflag:s21] =	ssyncadd.s32 $0xFFFFEC40  }
0x34: {  	[spmem:s17] =	stream.linear.scatter [tilespmem:s20], [sflag:$0x3], $0x13C0, $0x38;
	[tilespmem:$0x1EC60] =	vst v63  }
0x35: {  	_ =	swait.ge [sflag:s21], $0x13C0  }
0x36: {  	[sflag:s21] =	ssyncset.done $0x0  }
0x37: {  	[sflag:s21] =	ssyncadd.s32 $0xFFFFEC40  }
0x38: {  	[spmem:s18] =	stream.linear.scatter [tilespmem:s20], [sflag:$0x3], $0x13C0, $0x38;
	[tilespmem:$0x1EC60] =	vst v63  }
0x39: {  	_ =	swait.ge [sflag:s21], $0x13C0  }
0x3a: {  	[sflag:s21] =	ssyncset.done $0x0  }
0x3b: {  	[sflag:s21] =	ssyncadd.s32 $0xFFFFEC40  }
0x3c: {  	[spmem:s19] =	stream.linear.scatter [tilespmem:s20], [sflag:$0x3], $0x13C0, $0x38;
	[tilespmem:$0x1EC60] =	vst v63  }
0x3d: {  	_ =	swait.ge [sflag:s21], $0x13C0  }
0x3e: {  	[sflag:s21] =	ssyncset.done $0x0  }
0x3f: {  	s6 =	simm.s32 $0x0;
	s4 =	rddreg [dreg:$0x4];
	[sflag:s21] =	ssyncadd.s32 $0xFFFFEC40  }
0x40: {  	[tilespmem:s6], [sflag:$0x3] =	stream.linear.gather [hbm4b:s4+s6], $0x2710, $0x38;
	[tilespmem:$0x1EC60] =	vst v63  }
0x41: {  	_ =	swait.ge [sflag:s21], $0x2710  }
0x42: {  	[sflag:s21] =	ssyncset.done $0x0  }
0x43: {  	s5 =	simm.s32 $0x2710;
	s7 =	rddreg [dreg:$0x5];
	[sflag:s21] =	ssyncadd.s32 $0xFFFFD8F0  }
0x44: {  	[tilespmem:s5], [sflag:$0x3] =	stream.linear.gather [hbm4b:s7+s6], $0x2710, $0x38;
	[tilespmem:$0x1EC60] =	vst v63  }
0x45: {  	_ =	swait.ge [sflag:s21], $0x2710  }
0x46: {  	[sflag:s21] =	ssyncset.done $0x0  }
0x47: {  	s0 =	simm.s32 @p0 $0x1FC3;
	[sflag:s21] =	ssyncadd.s32 $0xFFFFD8F0  }
0x48: {  	[spmem:s22], [sflag:s0] =	dma.local @p0 [hbm:s8], $0xC80  }
0x49: {  	s0 =	simm.s32 @p0 $0x3  }
0x4a: {  	s4 =	stileid.u32;
	_ =	swait.ge @p0 [sflag:s0], $0xC80  }
0x4b: {  	s4 =	sshll.u32 @!p0 s4, $0x6;
	[sflag:s0] =	ssyncset.done @p0 $0x0  }
0x4c: {  	[sflag:s0] =	ssyncadd.s32 @p0 $0xFFFFF380;
	s0 =	sor.u32 @!p0 $0x1C03, s4;
	s4 =	rddreg [dreg:$0x6]  }
0x4d: {  	[spmem:s23], [sflag:s0] =	dma.local @!p0 [hbm:s4], $0x1400  }
0x4e: {  	s4 =	simm.s32 @!p0 $0x3  }
0x4f: {  	_ =	swait.ge @!p0 [sflag:s4], $0x1400  }
0x50: {  	[sflag:s4] =	ssyncset.done @!p0 $0x0  }
0x51: {  	[sflag:s4] =	ssyncadd.s32 @!p0 $0xFFFFEC00  }
0x52: {  	s26 =	simm.s32 $0x0;
	[bflag:$0x0] =	sbarrier.arrive $0xFFFF  }
0x53: {  	[tilespmem:s20], [sflag:$0x1] =	stream.indirect.gather [spmem:s3], $0x40, s26, s28, $0xb8;
	[tilespmem:$0x1EC60] =	vst v63  }
0x54: {  	s5 =	simm.s32 $0xC8  }
0x55: {  	[tilespmem:s29], [sflag:$0x2] =	stream.indirect.gather [spmem:s3], $0x40, s5, s28, $0xb8;
	[tilespmem:$0x1EC60] =	vst v63  }
0x56: {  	_ =	swait.ge [sflag:s30], $0x3200  }
0x57: {  	[sflag:s30] =	ssyncset.done $0x0  }
0x58: {  	s6 =	simm.s32 $0x2710;
	[sflag:s30] =	ssyncadd.s32 $0xFFFFCE00  }
0x59: {  	[spmem:s2] =	stream.indirect.scatter.add.f32 [tilespmem:s20], [sflag:$0x3], $0x40, s6, s28, $0xb8;
	[tilespmem:$0x1EC60] =	vst v63  }
0x5a: {  	_ =	swait.ge [sflag:s21], $0x3200  }
0x5b: {  	[sflag:s21] =	ssyncset.done $0x0  }
0x5c: {  	s7 =	simm.s32 $0x190;
	[sflag:s21] =	ssyncadd.s32 $0xFFFFCE00  }
0x5d: {  	[tilespmem:s20], [sflag:$0x1] =	stream.indirect.gather [spmem:s3], $0x40, s7, s28, $0xb8;
	[tilespmem:$0x1EC60] =	vst v63  }
0x5e: {  	_ =	swait.ge [sflag:s31], $0x3200  }
0x5f: {  	[sflag:s31] =	ssyncset.done $0x0  }
0x60: {  	s26 =	simm.s32 $0x27D8;
	[sflag:s31] =	ssyncadd.s32 $0xFFFFCE00  }
0x61: {  	[spmem:s2] =	stream.indirect.scatter.add.f32 [tilespmem:s29], [sflag:$0x3], $0x40, s26, s28, $0xb8;
	[tilespmem:$0x1EC60] =	vst v63  }
0x62: {  	_ =	swait.ge [sflag:s21], $0x3200  }
0x63: {  	s4 =	simm.s32 $0xC80;
	s26 =	simm.s32 $0x190;
	[sflag:s21] =	ssyncset.done $0x0  }
.LBB2_4:
0x64: {  	s5 =	sadd.s32 $0xC8, s26  }
0x65: {  	[sflag:s21] =	ssyncadd.s32 $0xFFFFCE00;
	s6 =	smov.u32 s4;
	s7 =	sadd.s32 $0x640, s4  }
0x66: {  	[tilespmem:s29], [sflag:$0x2] =	stream.indirect.gather [spmem:s3], $0x40, s5, s28, $0xb8;
	[tilespmem:$0x1EC60] =	vst v63  }
0x67: {  	p1 =	sne.s32 s4, $0x8FC0;
	_ =	swait.ge [sflag:s30], $0x3200  }
0x68: {  	[sflag:s30] =	ssyncset.done $0x0  }
0x69: {  	s4 =	sadd.s32 $0x2710, s26;
	[sflag:s30] =	ssyncadd.s32 $0xFFFFCE00  }
0x6a: {  	[spmem:s2] =	stream.indirect.scatter.add.f32 [tilespmem:s20], [sflag:$0x3], $0x40, s4, s28, $0xb8;
	[tilespmem:$0x1EC60] =	vst v63  }
0x6b: {  	_ =	swait.ge [sflag:s21], $0x3200  }
0x6c: {  	[sflag:s21] =	ssyncset.done $0x0  }
0x6d: {  	s4 =	sadd.s32 $0x190, s26;
	[sflag:s21] =	ssyncadd.s32 $0xFFFFCE00  }
0x6e: {  	[tilespmem:s20], [sflag:$0x1] =	stream.indirect.gather [spmem:s3], $0x40, s4, s28, $0xb8;
	[tilespmem:$0x1EC60] =	vst v63  }
0x6f: {  	_ =	swait.ge [sflag:s31], $0x3200  }
.Ltmp1:
0x70: {  	[sflag:s31] =	ssyncset.done $0x0;
	(pc) =	sbr.rel @p1 .LBB2_4-.Ltmp1, $4  }
0x71: {  	s4 =	sadd.s32 $0x27D8, s26;
	[sflag:s31] =	ssyncadd.s32 $0xFFFFCE00  }
0x72: {  	[spmem:s2] =	stream.indirect.scatter.add.f32 [tilespmem:s29], [sflag:$0x3], $0x40, s4, s28, $0xb8;
	[tilespmem:$0x1EC60] =	vst v63  }
0x73: {  	_ =	swait.ge [sflag:s21], $0x3200  }
0x74: {  	s26 =	sshra.s32 s6, $0x2;
	s4 =	smov.u32 s7;
	[sflag:s21] =	ssyncset.done $0x0  }
0x75: {  	s4 =	sadd.s32 $0xC8, s26;
	[sflag:s21] =	ssyncadd.s32 $0xFFFFCE00  }
0x76: {  	[tilespmem:s29], [sflag:$0x2] =	stream.indirect.gather [spmem:s3], $0x40, s4, s28, $0xb8;
	[tilespmem:$0x1EC60] =	vst v63  }
0x77: {  	_ =	swait.ge [sflag:s30], $0x3200  }
0x78: {  	[sflag:s30] =	ssyncset.done $0x0  }
0x79: {  	s6 =	sadd.s32 $0x2710, s26;
	[sflag:s30] =	ssyncadd.s32 $0xFFFFCE00  }
0x7a: {  	[spmem:s2] =	stream.indirect.scatter.add.f32 [tilespmem:s20], [sflag:$0x3], $0x40, s6, s28, $0xb8;
	[tilespmem:$0x1EC60] =	vst v63  }
0x7b: {  	_ =	swait.ge [sflag:s21], $0x3200  }
0x7c: {  	[sflag:s21] =	ssyncset.done $0x0  }
0x7d: {  	s7 =	sadd.s32 $0x190, s26;
	[sflag:s21] =	ssyncadd.s32 $0xFFFFCE00  }
0x7e: {  	[tilespmem:s20], [sflag:$0x1] =	stream.indirect.gather [spmem:s3], $0x40, s7, s28, $0xb8;
	[tilespmem:$0x1EC60] =	vst v63  }
0x7f: {  	_ =	swait.ge [sflag:s31], $0x3200  }
0x80: {  	[sflag:s31] =	ssyncset.done $0x0  }
0x81: {  	s5 =	sadd.s32 $0x27D8, s26;
	[sflag:s31] =	ssyncadd.s32 $0xFFFFCE00  }
0x82: {  	[spmem:s2] =	stream.indirect.scatter.add.f32 [tilespmem:s29], [sflag:$0x3], $0x40, s5, s28, $0xb8;
	[tilespmem:$0x1EC60] =	vst v63  }
0x83: {  	_ =	swait.ge [sflag:s21], $0x3200  }
0x84: {  	[sflag:s21] =	ssyncset.done $0x0  }
0x85: {  	s6 =	simm.s32 $0x2648;
	[sflag:s21] =	ssyncadd.s32 $0xFFFFCE00  }
0x86: {  	[tilespmem:s29], [sflag:$0x2] =	stream.indirect.gather [spmem:s3], $0x40, s6, s28, $0xb8;
	[tilespmem:$0x1EC60] =	vst v63  }
0x87: {  	_ =	swait.ge [sflag:s30], $0x3200  }
0x88: {  	[sflag:s30] =	ssyncset.done $0x0  }
0x89: {  	s7 =	simm.s32 $0x4C90;
	[sflag:s30] =	ssyncadd.s32 $0xFFFFCE00  }
0x8a: {  	[spmem:s2] =	stream.indirect.scatter.add.f32 [tilespmem:s20], [sflag:$0x3], $0x40, s7, s28, $0xb8;
	[tilespmem:$0x1EC60] =	vst v63  }
0x8b: {  	_ =	swait.ge [sflag:s21], $0x3200  }
0x8c: {  	[sflag:s21] =	ssyncset.done $0x0  }
0x8d: {  	[sflag:s21] =	ssyncadd.s32 $0xFFFFCE00  }
0x8e: {  	_ =	swait.ge [sflag:s31], $0x3200  }
0x8f: {  	[sflag:s31] =	ssyncset.done $0x0  }
0x90: {  	s26 =	simm.s32 $0x4D58;
	[sflag:s31] =	ssyncadd.s32 $0xFFFFCE00  }
0x91: {  	[spmem:s2] =	stream.indirect.scatter.add.f32 [tilespmem:s29], [sflag:$0x3], $0x40, s26, s28, $0xb8;
	[tilespmem:$0x1EC60] =	vst v63  }
0x92: {  	_ =	swait.ge [sflag:s21], $0x3200  }
0x93: {  	[sflag:s21] =	ssyncset.done $0x0  }
0x94: {  	[sflag:s21] =	ssyncadd.s32 $0xFFFFCE00  }
0x95: {  	s4 =	simm.s32 @p0 $0x1FC3;
	[bflag:$0x0] =	sbarrier.arrive $0xFFFF  }
0x96: {  	[hbm:s10], [sflag:s4] =	dma.local @p0 [spmem:s24], $0x1040  }
0x97: {  	s4 =	simm.s32 @p0 $0x3  }
0x98: {  	_ =	swait.ge @p0 [sflag:s4], $0x1040  }
0x99: {  	s1 =	sadd.s32 $0x1, s1;
	[sflag:s4] =	ssyncset.done @p0 $0x0  }
0x9a: {  	p1 =	sne.s32 s1, s12;
	[sflag:s4] =	ssyncadd.s32 @p0 $0xFFFFEFC0  }
0x9b: {  	[hbm:s9], [sflag:s0] =	dma.local @!p0 [spmem:s25], $0x13C0  }
.Ltmp2:
0x9c: {  	_ = 	snop;
	(pc) =	sbr.rel @p1 .LBB2_1-.Ltmp2, $4  }
0x9d: {  	s0 =	simm.s32 @!p0 $0x3  }
0x9e: {  	_ =	swait.ge @!p0 [sflag:s0], $0x13C0  }
0x9f: {  	[sflag:s0] =	ssyncset.done @!p0 $0x0  }
0xa0: {  	[sflag:s0] =	ssyncadd.s32 @!p0 $0xFFFFEC40  }
0xa1: {  	_ =	sfence.sel $0x180000  }
0xa2: {  	[bflag:$0x0] =	sbarrier.arrive $0xFFFF  }
0xa3: {  	_ =	strace $0x9000004A  }
0xa4: {  	s0 =	stileid.u32;
	[bflag:$0x2] =	sbarrier.arrive $0xFFFF  }
0xa5: {  	p0 =	sne.s32 s0, $0x0;
	s0 =	rddreg [dreg:$0x3]  }
0xa6: {  	s0 =	sadd.s32 @!p0 $0x100000, s0  }
0xa7: {  	[sflag:s0] =	ssyncadd.tile.s32 @!p0 $0x1;
	_ =	shalt  }
.Lfunc_end2:
_tile_overlayer_lowered:
.L_overlay_start_2:
0xa8: {  	(tag) =	ssettag $0x2  }
0xa9: {  	s0 =	rddreg [dreg:$0x0];
	s2 =	stileid.u32  }
0xaa: {  	s1 =	rddreg [dreg:$0x1];
	p0 =	sne.s32 s2, $0x0  }
0xab: {  	s3 =	rddreg [dreg:$0x2];
	[bflag:$0x3] =	sbarrier.arrive $0xFFFF;
	s2 =	simm.s32 @!p0 $0x1C03  }
0xac: {  	[timem:s3], [sflag:s2] =	dma.local @!p0 [hbm:s0], s1  }
0xad: {  	s0 =	simm.s32 @!p0 $0x3  }
0xae: {  	_ =	swait.ge @!p0 [sflag:s0], s1  }
0xaf: {  	s1 =	ssub.s32 @!p0 $0x0, s1;
	[sflag:s0] =	ssyncset.done @!p0 $0x0  }
0xb0: {  	[sflag:s0] =	ssyncadd.s32 @!p0 s1  }
0xb1: {  	[bflag:$0x3] =	sbarrier.arrive $0xFFFF  }
0xb2: {  	_ =	shalt  }

// kernel: kernel.7.cloned.1.call-start
scs
__scs_entry_jumppad:
0x0: {  	(pc) =	sbr.rel $0x88, $3  }
0x1: {  	(tag) =	ssettag $0x0;
	lr =	simm.s32 $0x1  }
0x2: {  	[smem:$0x3F95] =	sst lr;
	_ =	strace $0xD0000000  }
0x3: {  	_ = 	snop  }
0x4: {  	_ = 	snop  }
0x5: {  	_ = 	snop  }
0x6: {  	_ = 	snop  }
0x7: {  	_ = 	snop  }
__scs_overlays_trampoline_lowered:
0x8: {  	[smem:$0x3FA4] =	sst s0  }
0x9: {  	[smem:$0x3FA5] =	sst s1  }
0xa: {  	[smem:$0x3FA6] =	sst s2  }
0xb: {  	[smem:$0x3FA7] =	sst s3  }
0xc: {  	[smem:$0x3FA8] =	sst s4  }
0xd: {  	[smem:$0x3FA9] =	sst s5  }
0xe: {  	[smem:$0x3FAA] =	sst s6  }
0xf: {  	[smem:$0x3FAB] =	sst s7  }
0x10: {  	[smem:$0x3FAC] =	sst s8  }
0x11: {  	[smem:$0x3FAD] =	sst s9;
	s0 =	simm.s32 @!p0 $0x0  }
0x12: {  	s1 =	sld [smem:$0x3F93];
	s0 =	simm.s32 @p0 $0x1  }
0x13: {  	[smem:$0x3FAE] =	sst s0;
	s0 =	simm.s32 @!p1 $0x0  }
0x14: {  	s2 =	sld [smem:$0x3F92];
	s0 =	simm.s32 @p1 $0x1  }
0x15: {  	[smem:$0x3FAF] =	sst s0;
	s0 =	simm.s32 @!p2 $0x0  }
0x16: {  	s3 =	sld [smem:$0x3FDB];
	s0 =	simm.s32 @p2 $0x1  }
0x17: {  	s4 =	simm.s32 $0x1BF5;
	[smem:$0x3FB1] =	sst s0  }
0x18: {  	s0 =	sld [smem:$0x3F94];
	_ =	swait.ge [sflag:s4], $0x0  }
0x19: {  	s7 =	sld [smem:$0x3F95]  }
0x1a: {  	s8 =	sadd.s32 $0xFFFFE003, lr  }
0x1b: {  	s9 =	sadd.s32 $0xFFFFFEF7, lr;
	s5 =	simm.s32 $0xFFFFFFFF;
	p2 =	slt.u32 s8, $0xFFFFF086  }
0x1c: {  	p1 =	slt.u32 s9, $0xF7A;
	s5 =	simm.s32 @!p2 $0x0  }
0x1d: {  	s5 =	simm.s32 @p1 $0x1;
	p0 =	seq.s32 s7, s2  }
0x1e: {  	s7 =	smul.u32 @!p0 $0xF7A, s2;
	p2 =	seq.s32 @!p0 s5, $0x0  }
0x1f: {  	s9 =	smul.u32 $0xF7A, s1;
	s8 =	simm.s32 @!p0 $0x1BF5;
	p2 =	por !p2, p0  }
0x20: {  	[sflag:s8] =	ssyncset.s32 @!p0 $0xFFFFF086;
	s6 =	sadd.s32 @!p0 s3, s7;
	s7 =	simm.s32 @!p0 $0x108  }
0x21: {  	s3 =	sadd.s32 s3, s9;
	s6 =	sadd.s32 @!p0 $0x88, s6;
	s7 =	simm.s32 @p2 $0x1082  }
0x22: {  	[simem:s7], [sflag:s8] =	dma.local @!p0 [hbm:s6], $0xF7A  }
0x23: {  	s9 =	sor.u32 $0xD0000000, s2;
	s6 =	simm.s32 $0x108;
	_ =	swait.ge @!p0 [sflag:s8], $0x0  }
0x24: {  	s3 =	sadd.s32 $0x88, s3;
	s6 =	simm.s32 @!p1 $0x1082;
	[sflag:s4] =	ssyncset.s32 $0xFFFFF086  }
0x25: {  	[simem:s6], [sflag:s4] =	dma.local [hbm:s3], $0xF7A  }
0x26: {  	[smem:$0x3F95] =	sst s1;
	(tag) =	ssettag s2;
	_ =	strace s9  }
0x27: {  	s1 =	sld [smem:$0x3FA5]  }
0x28: {  	s2 =	sld [smem:$0x3FA6]  }
0x29: {  	s4 =	sld [smem:$0x3FA8]  }
0x2a: {  	p0 =	seq.s32 s5, $0x0;
	s5 =	sld [smem:$0x3FA9]  }
0x2b: {  	s6 =	sld [smem:$0x3FAA]  }
0x2c: {  	s7 =	sld [smem:$0x3FAB]  }
0x2d: {  	s3 =	simm.s32 $0x108;
	s8 =	sld [smem:$0x3FAC]  }
0x2e: {  	s3 =	simm.s32 @!p0 $0x1082;
	s9 =	sld [smem:$0x3FAD]  }
0x2f: {  	lr =	sadd.s32 s0, s3;
	s0 =	sld [smem:$0x3FA4]  }
0x30: {  	s3 =	sld [smem:$0x3FA7]  }
0x31: {  	[smem:$0x3FB0] =	sst s10  }
0x32: {  	s10 =	sld [smem:$0x3FAE];
	_ =	sdelay $0x3  }
0x33: {  	p0 =	seq.s32 s10, $0x1;
	s10 =	sld [smem:$0x3FB0];
	_ =	sdelay $0x3  }
0x34: {  	[smem:$0x3FB0] =	sst s10  }
0x35: {  	s10 =	sld [smem:$0x3FAF];
	_ =	sdelay $0x3  }
0x36: {  	p1 =	seq.s32 s10, $0x1;
	s10 =	sld [smem:$0x3FB0];
	_ =	sdelay $0x3  }
0x37: {  	[smem:$0x3FB0] =	sst s10  }
0x38: {  	s10 =	sld [smem:$0x3FB1]  }
0x39: {  	_ = 	snop;
	(pc) =	sbr.ind lr, $3  }
0x3a: {  	_ = 	snop  }
0x3b: {  	_ = 	snop  }
0x3c: {  	p2 =	seq.s32 s10, $0x1;
	s10 =	sld [smem:$0x3FB0]  }
0x3d: {  	_ =	shalt  }
0x3e: {  	_ =	shalt  }
0x3f: {  	_ =	shalt  }
0x40: {  	_ =	shalt  }
0x41: {  	_ =	shalt  }
0x42: {  	_ =	shalt  }
0x43: {  	_ =	shalt  }
0x44: {  	_ =	shalt  }
0x45: {  	_ =	shalt  }
0x46: {  	_ =	shalt  }
0x47: {  	_ =	shalt  }
0x48: {  	_ =	shalt  }
0x49: {  	_ =	shalt  }
0x4a: {  	_ =	shalt  }
0x4b: {  	_ =	shalt  }
0x4c: {  	_ =	shalt  }
0x4d: {  	_ =	shalt  }
0x4e: {  	_ =	shalt  }
0x4f: {  	_ =	shalt  }
0x50: {  	_ =	shalt  }
0x51: {  	_ =	shalt  }
0x52: {  	_ =	shalt  }
0x53: {  	_ =	shalt  }
0x54: {  	_ =	shalt  }
0x55: {  	_ =	shalt  }
0x56: {  	_ =	shalt  }
0x57: {  	_ =	shalt  }
0x58: {  	_ =	shalt  }
0x59: {  	_ =	shalt  }
0x5a: {  	_ =	shalt  }
0x5b: {  	_ =	shalt  }
0x5c: {  	_ =	shalt  }
0x5d: {  	_ =	shalt  }
0x5e: {  	_ =	shalt  }
0x5f: {  	_ =	shalt  }
0x60: {  	_ =	shalt  }
0x61: {  	_ =	shalt  }
0x62: {  	_ =	shalt  }
0x63: {  	_ =	shalt  }
0x64: {  	_ =	shalt  }
0x65: {  	_ =	shalt  }
0x66: {  	_ =	shalt  }
0x67: {  	_ =	shalt  }
0x68: {  	_ =	shalt  }
0x69: {  	_ =	shalt  }
0x6a: {  	_ =	shalt  }
0x6b: {  	_ =	shalt  }
0x6c: {  	_ =	shalt  }
0x6d: {  	_ =	shalt  }
0x6e: {  	_ =	shalt  }
0x6f: {  	_ =	shalt  }
0x70: {  	_ =	shalt  }
0x71: {  	_ =	shalt  }
0x72: {  	_ =	shalt  }
0x73: {  	_ =	shalt  }
0x74: {  	_ =	shalt  }
0x75: {  	_ =	shalt  }
0x76: {  	_ =	shalt  }
0x77: {  	_ =	shalt  }
0x78: {  	_ =	shalt  }
0x79: {  	_ =	shalt  }
0x7a: {  	_ =	shalt  }
0x7b: {  	_ =	shalt  }
0x7c: {  	_ =	shalt  }
0x7d: {  	_ =	shalt  }
0x7e: {  	_ =	shalt  }
0x7f: {  	_ =	shalt  }
0x80: {  	_ =	shalt  }
0x81: {  	_ =	shalt  }
0x82: {  	_ =	shalt  }
0x83: {  	_ =	shalt  }
0x84: {  	_ =	shalt  }
0x85: {  	_ =	shalt  }
0x86: {  	_ =	shalt  }
0x87: {  	_ =	shalt  }
.Lfunc_end0:
.L_simem_size_0:
called_computation_lowered:
.L_overlay_start_0:
0x88: {  	s2 =	sld [smem:$0x3FD9]  }
0x89: {  	s3 =	sld [smem:$0x3FFE];
	_ =	sdelay $0x1  }
0x8a: {  	s1 =	srdreg.scid  }
0x8b: {  	s0 =	sand.u32 $0x1, s1  }
0x8c: {  	s16 =	sshll.u32 s0, $0xA;
	s2 =	sadd.s32 s3, s2  }
0x8d: {  	s2 =	sadd.s32 s2, s16  }
0x8e: {  	[smem:$0x3FBC] =	sst s2  }
0x8f: {  	_ = 	snop  }
0x90: {  	(tm) =	ssettm $0x1  }
0x91: {  	s17 =	sld [smem:$0x3FFB];
	_ =	sdelay $0x3  }
0x92: {  	_ =	strace s17  }
0x93: {  	s2 =	sld [smem:$0x3FFC];
	_ =	sdelay $0x3  }
0x94: {  	_ =	strace s2  }
0x95: {  	s2 =	sld [smem:$0x3FFD];
	_ =	sdelay $0x3  }
0x96: {  	_ =	strace s2  }
0x97: {  	_ =	strace $0x8FFFFFFF  }
0x98: {  	s18 =	sld [smem:$0x3FDB];
	_ =	sdelay $0x1  }
0x99: {  	s19 =	simm.s32 $_scs_section_size  }
0x9a: {  	s4 =	simm.s32 $_size__tile_overlayer_lowered;
	s5 =	simm.s32 $_tile_overlayer_lowered  }
0x9b: {  	s22 =	simm.s32 $0x1BFF;
	s21 =	sshll.u32 s5, $0x1;
	s2 =	sadd.s32 s19, s18  }
0x9c: {  	s6 =	simm.s32 $0x0;
	s20 =	sshll.u32 s4, $0x1;
	s4 =	sadd.s32 s21, s2  }
0x9d: {  	[timem:s6], [sflag:s22] =	dma.local [hbm:s4], s20  }
0x9e: {  	_ =	swait.ge [sflag:s22], s20  }
0x9f: {  	s3 =	ssub.s32 $0x0, s20;
	[sflag:s22] =	ssyncset.done $0x0  }
0xa0: {  	[sflag:s22] =	ssyncadd.s32 s3;
	_ =	sdelay $0x1  }
0xa1: {  	s23 =	simm.s32 $0x1B8B  }
0xa2: {  	_ =	swait.ge [sflag:s23], $0x1  }
0xa3: {  	[sflag:s23] =	ssyncset.done $0x0  }
0xa4: {  	s25 =	simm.s32 $0x1B8E;
	s24 =	sld [smem:$0x3FFE];
	[sflag:s23] =	ssyncadd.s32 $0xFFFFFFFF  }
0xa5: {  	s26 =	simm.s32 $execute0_lowered;
	[smem:$0x3FD2] =	sst s25  }
0xa6: {  	s4 =	sshll.u32 s26, $0x1;
	_ =	strace $0x80000046;
	[dreg:$0x1] =	wrdreg $0xFFFFFFFF  }
0xa7: {  	s28 =	simm.s32 $_size_execute0_lowered;
	s2 =	sadd.s32 s2, s4;
	[dreg:$0x0] =	wrdreg $0x0  }
0xa8: {  	s4 =	sshll.u32 s28, $0x1;
	[dreg:$0x2] =	wrdreg s2  }
0xa9: {  	[dreg:$0x3] =	wrdreg s4  }
0xaa: {  	[dreg:$0x4] =	wrdreg $0xC0  }
0xab: {  	_ =	task [dreg:s6], $0x5FFFF  }
0xac: {  	[dreg:$0x1] =	wrdreg $0xFFFFFFFF  }
0xad: {  	[dreg:$0x0] =	wrdreg $0x60  }
0xae: {  	[dreg:$0x2] =	wrdreg s24  }
0xaf: {  	[dreg:$0x3] =	wrdreg $0xB2200  }
0xb0: {  	[dreg:$0x4] =	wrdreg $0x1EFB00  }
0xb1: {  	[dreg:$0x5] =	wrdreg $0x150200  }
0xb2: {  	[dreg:$0x6] =	wrdreg $0x9  }
0xb3: {  	_ =	task.clear_ibuf [dreg:s6], $0x7FFFF;
	_ =	strace $0x90000046  }
0xb4: {  	s29 =	simm.s32 $0x9;
	_ =	strace $0x80000048  }
0xb5: {  	_ =	swait.ge [sflag:s29], $0x1  }
0xb6: {  	[sflag:s29] =	ssyncadd.s32 $0xFFFFFFFF  }
0xb7: {  	_ =	strace $0x90000048  }
0xb8: {  	_ =	sfence  }
0xb9: {  	s30 =	sld [smem:$0x0];
	_ =	sdelay $0x2  }
0xba: {  	s31 =	sshll.u32 s1, $0xD;
	s1 =	sshrl.u32 s1, $0x2  }
0xbb: {  	s3 =	sand.u32 $0x4000, s31;
	s1 =	sadd.s32 s1, s30  }
0xbc: {  	s0 =	sor.u32 s3, s0;
	s1 =	sshll.u32 s1, $0x11  }
0xbd: {  	s0 =	sor.u32 s1, s0  }
0xbe: {  	s0 =	sadd.s32 $0x8F2B, s0  }
0xbf: {  	[sflag:s0] =	ssyncadd.remote.s32 $0x1  }
0xc0: {  	_ =	sfence.sel $0xFFFF  }
0xc1: {  	[dreg:$0x0] =	wrdreg $0xFFFFFFFF;
	(pc) =	sbr.abs _section_cstart, $3  }
0xc2: {  	[dreg:$0x1] =	wrdreg $0xFFFFFFFF  }
0xc3: {  	_ =	task.clear_ibuf [dreg:s6], $0x2FFFF;
	_ =	strace $0x9FFFFFFF  }
0xc4: {  	(tm) =	ssettm $0x7FFFFFFF  }
0xc5: {  	_ =	shalt  }
tec
execute0_lowered:
.L_overlay_start_1:
0x0: {  	(tag) =	ssettag $0x1  }
0x1: {  	s0 =	srdreg.scid  }
0x2: {  	s15 =	stileid.u32;
	s1 =	rddreg [dreg:$0x0]  }
0x3: {  	s2 =	rddreg [dreg:$0x1];
	s8 =	simm.s32 $0x0;
	s7 =	smul.u32 $0xA000, s15  }
0x4: {  	s28 =	simm.s32 $0x4E20;
	s29 =	simm.s32 $0x4;
	s6 =	smul.u32 $0x280, s15  }
0x5: {  	s30 =	simm.s32 $0x8020;
	s31 =	simm.s32 $0x1;
	s18 =	smul.u32 $0x9E00, s15  }
0x6: {  	s0 =	sand.u32 $0x1, s0;
	s3 =	sshll.u32 s15, $0x1;
	s21 =	smul.u32 $0x27800, s15  }
0x7: {  	[smem:$0x7FF] =	sst s8;
	s10 =	sadd.s32 $0x29800, s1;
	s17 =	smul.u32 $0x2800, s0  }
0x8: {  	s4 =	sor.u32 s0, s3;
	s11 =	ssub.s32 $0x2, s0;
	s0 =	smul.u32 $0x9C400, s0  }
0x9: {  	p0 =	seq.s32 s15, $0xF;
	s3 =	rddreg [dreg:$0x2];
	s5 =	smul.u32 $0x4E2, s4  }
0xa: {  	s4 =	rddreg [dreg:$0x3];
	_ =	strace $0x80000047;
	s9 =	sshrl.u32 s7, $0x3  }
0xb: {  	s12 =	sshrl.u32 s11, $0x1;
	s23 =	sshrl.u32 s21, $0x2;
	s9 =	sadd.s32 s9, s1  }
0xc: {  	s8 =	sadd.s32 s6, s17;
	s11 =	ssub.s32 s11, s12;
	s6 =	sadd.s32 s6, s3  }
0xd: {  	s20 =	sadd.s32 s18, s0;
	s0 =	sshrl.u32 s0, $0x3;
	s14 =	sadd.s32 s23, s2  }
0xe: {  	s5 =	sadd.s32 s5, s1;
	s8 =	sshrl.u32 s8, $0x3;
	s19 =	sadd.s32 $0x15400, s9  }
0xf: {  	s9 =	sshrl.u32 s20, $0x3;
	s0 =	sadd.s32 s10, s0;
	s24 =	smax.u32 s11, $0x1  }
0x10: {  	s25 =	sadd.s32 $0x13C0, s14;
	s26 =	sadd.s32 $0x2780, s14;
	[dreg:$0x7] =	wrdreg s19  }
0x11: {  	s20 =	sadd.s32 $0x62C0, s14;
	s21 =	sadd.s32 $0x7680, s14;
	[dreg:$0xc] =	wrdreg s24  }
0x12: {  	s8 =	sadd.s32 s8, s1;
	s13 =	sadd.s32 $0xB600, s5;
	[dreg:$0xd] =	wrdreg s25  }
0x13: {  	s5 =	sadd.s32 $0x1800, s5;
	s1 =	sadd.s32 $0x28000, s1;
	[dreg:$0xe] =	wrdreg s26  }
0x14: {  	s22 =	sadd.s32 s10, s9;
	s0 =	sadd.s32 $0x12840, s0;
	[dreg:$0x5] =	wrdreg s13  }
0x15: {  	s9 =	sadd.s32 $0x94200, s2;
	s19 =	sadd.s32 $0x4F00, s14;
	[dreg:$0x6] =	wrdreg s5  }
0x16: {  	s26 =	sadd.s32 $0x8A40, s14;
	s10 =	simm.s32 $0x0;
	[dreg:$0x8] =	wrdreg s1  }
0x17: {  	s5 =	sadd.s32 s7, s4;
	s7 =	sadd.s32 $0x96000, s4;
	[dreg:$0x9] =	wrdreg s22  }
0x18: {  	s1 =	sadd.s32 s18, s2;
	[dreg:$0xa] =	wrdreg s0;
	s8 =	sadd.s32 $0x28E00, s8  }
0x19: {  	s18 =	sadd.s32 $0x3B40, s14;
	s24 =	sshrl.u32 @p0 s9, $0x3;
	s0 =	simm.s32 $0x4C90  }
0x1a: {  	s9 =	simm.s32 $0x4D58;
	[dreg:$0xb] =	wrdreg s8;
	s22 =	sshrl.u32 @p0 s7, $0x3  }
0x1b: {  	s23 =	sshrl.u32 @!p0 s5, $0x3;
	s25 =	sshrl.u32 @!p0 s1, $0x3;
	s1 =	simm.s32 $0xC8  }
0x1c: {  	v0 =	vimm.f32 $0.0e+00;
	v1 =	vimm.f32 $1.000000000e+00;
	s5 =	simm.s32 $0x1EC60;
	s7 =	simm.s32 $0x2;
	s8 =	simm.s32 $0x3  }
.LBB2_1:
0x1d: {  	s12 =	simm.s32 $0x100;
	s11 =	simm.s32 $0x0  }
.LBB2_2:
0x1e: {  	p1 =	sne.s32 s12, $0x4E00;
	[tilespmem:s11+$0x4E50] =	vst v0;
	s13 =	smov.u32 s12;
	s12 =	sadd.s32 $0x100, s12  }
.Ltmp0:
0x1f: {  	[tilespmem:s11+$0x4E40] =	vst v0;
	(pc) =	sbr.rel @p1 .LBB2_2-.Ltmp0, $3  }
0x20: {  	[tilespmem:s11+$0x4E20] =	vst v0  }
0x21: {  	[tilespmem:s11+$0x4E30] =	vst v0;
	_ =	sdelay $0x1  }
0x22: {  	s11 =	sshra.s32 s13, $0x2  }
0x23: {  	[tilespmem:s11+$0x4E50] =	vst v0  }
0x24: {  	[tilespmem:s11+$0x4E40] =	vst v0  }
0x25: {  	[tilespmem:s11+$0x4E20] =	vst v0  }
0x26: {  	[tilespmem:s11+$0x4E30] =	vst v0  }
0x27: {  	[spmem:s14] =	stream.linear.scatter [tilespmem:s28], [sflag:$0x4], $0x13C0, $0x38;
	[tilespmem:$0x1F230] =	vst v63  }
0x28: {  	_ =	swait.ge [sflag:s29], $0x13C0  }
0x29: {  	[sflag:s29] =	ssyncset.done $0x0  }
0x2a: {  	s12 =	rddreg [dreg:$0xd];
	[sflag:s29] =	ssyncadd.s32 $0xFFFFEC40  }
0x2b: {  	[spmem:s12] =	stream.linear.scatter [tilespmem:s28], [sflag:$0x4], $0x13C0, $0x38;
	[tilespmem:$0x1F230] =	vst v63  }
0x2c: {  	_ =	swait.ge [sflag:s29], $0x13C0  }
0x2d: {  	[sflag:s29] =	ssyncset.done $0x0  }
0x2e: {  	s13 =	rddreg [dreg:$0xe];
	[sflag:s29] =	ssyncadd.s32 $0xFFFFEC40  }
0x2f: {  	[spmem:s13] =	stream.linear.scatter [tilespmem:s28], [sflag:$0x4], $0x13C0, $0x38;
	[tilespmem:$0x1F230] =	vst v63  }
0x30: {  	_ =	swait.ge [sflag:s29], $0x13C0  }
0x31: {  	[sflag:s29] =	ssyncset.done $0x0  }
0x32: {  	[sflag:s29] =	ssyncadd.s32 $0xFFFFEC40  }
0x33: {  	[spmem:s18] =	stream.linear.scatter [tilespmem:s28], [sflag:$0x4], $0x13C0, $0x38;
	[tilespmem:$0x1F230] =	vst v63  }
0x34: {  	_ =	swait.ge [sflag:s29], $0x13C0  }
0x35: {  	[sflag:s29] =	ssyncset.done $0x0  }
0x36: {  	[sflag:s29] =	ssyncadd.s32 $0xFFFFEC40  }
0x37: {  	[spmem:s19] =	stream.linear.scatter [tilespmem:s28], [sflag:$0x4], $0x13C0, $0x38;
	[tilespmem:$0x1F230] =	vst v63  }
0x38: {  	_ =	swait.ge [sflag:s29], $0x13C0  }
0x39: {  	[sflag:s29] =	ssyncset.done $0x0  }
0x3a: {  	[sflag:s29] =	ssyncadd.s32 $0xFFFFEC40  }
0x3b: {  	[spmem:s20] =	stream.linear.scatter [tilespmem:s28], [sflag:$0x4], $0x13C0, $0x38;
	[tilespmem:$0x1F230] =	vst v63  }
0x3c: {  	_ =	swait.ge [sflag:s29], $0x13C0  }
0x3d: {  	[sflag:s29] =	ssyncset.done $0x0  }
0x3e: {  	[sflag:s29] =	ssyncadd.s32 $0xFFFFEC40  }
0x3f: {  	[spmem:s21] =	stream.linear.scatter [tilespmem:s28], [sflag:$0x4], $0x13C0, $0x38;
	[tilespmem:$0x1F230] =	vst v63  }
0x40: {  	_ =	swait.ge [sflag:s29], $0x13C0  }
0x41: {  	[sflag:s29] =	ssyncset.done $0x0  }
0x42: {  	[sflag:s29] =	ssyncadd.s32 $0xFFFFEC40  }
0x43: {  	[spmem:s26] =	stream.linear.scatter [tilespmem:s28], [sflag:$0x4], $0x13C0, $0x38;
	[tilespmem:$0x1F230] =	vst v63  }
0x44: {  	_ =	swait.ge [sflag:s29], $0x13C0  }
0x45: {  	[sflag:s29] =	ssyncset.done $0x0  }
0x46: {  	[sflag:s29] =	ssyncadd.s32 $0xFFFFEC40  }
0x47: {  	[tilespmem:$0x1EC60] =	vst v1  }
0x48: {  	[tilespmem:$0x1EC70] =	vst v1  }
0x49: {  	[tilespmem:$0x1EC80] =	vst v1  }
0x4a: {  	[tilespmem:$0x1EC90] =	vst v1  }
0x4b: {  	[tilespmem:$0x1ECA0] =	vst v1  }
0x4c: {  	[tilespmem:$0x1ECB0] =	vst v1  }
0x4d: {  	[tilespmem:$0x1ECC0] =	vst v1  }
0x4e: {  	[tilespmem:$0x1ECD0] =	vst v1  }
0x4f: {  	[tilespmem:$0x1ECE0] =	vst v1  }
0x50: {  	[tilespmem:$0x1ECF0] =	vst v1  }
0x51: {  	[tilespmem:$0x1ED00] =	vst v1  }
0x52: {  	[tilespmem:$0x1ED10] =	vst v1  }
0x53: {  	[tilespmem:$0x1ED20] =	vst v1  }
0x54: {  	[tilespmem:$0x1ED30] =	vst v0  }
0x55: {  	[tilespmem:$0x1ED40] =	vst v0  }
0x56: {  	[tilespmem:$0x1ED50] =	vst v0  }
0x57: {  	[tilespmem:$0x1ED60] =	vst v0  }
0x58: {  	[tilespmem:$0x1ED70] =	vst v0  }
0x59: {  	[tilespmem:$0x1ED80] =	vst v0  }
0x5a: {  	[tilespmem:$0x1ED90] =	vst v0  }
0x5b: {  	[tilespmem:$0x1EDA0] =	vst v0  }
0x5c: {  	[tilespmem:$0x1EDB0] =	vst v0  }
0x5d: {  	[tilespmem:$0x1EDC0] =	vst v0  }
0x5e: {  	[tilespmem:$0x1EDD0] =	vst v0  }
0x5f: {  	[tilespmem:$0x1EDE0] =	vst v0  }
0x60: {  	[tilespmem:$0x1EDF0] =	vst v0  }
0x61: {  	[tilespmem:$0x1EE00] =	vst v0  }
0x62: {  	[tilespmem:$0x1EE10] =	vst v0  }
0x63: {  	[tilespmem:$0x1EE20] =	vst v0  }
0x64: {  	[tilespmem:$0x1EE30] =	vst v0  }
0x65: {  	[tilespmem:$0x1EE40] =	vst v0  }
0x66: {  	[tilespmem:$0x1EE50] =	vst v0  }
0x67: {  	[tilespmem:$0x1EE60] =	vst v0  }
0x68: {  	[tilespmem:$0x1EE70] =	vst v0  }
0x69: {  	[tilespmem:$0x1EE80] =	vst v0  }
0x6a: {  	[tilespmem:$0x1EE90] =	vst v0  }
0x6b: {  	[tilespmem:$0x1EEA0] =	vst v0  }
0x6c: {  	[tilespmem:$0x1EEB0] =	vst v0  }
0x6d: {  	[tilespmem:$0x1EEC0] =	vst v0  }
0x6e: {  	[tilespmem:$0x1EED0] =	vst v0  }
0x6f: {  	[tilespmem:$0x1EEE0] =	vst v0  }
0x70: {  	[tilespmem:$0x1EEF0] =	vst v0  }
0x71: {  	[tilespmem:$0x1EF00] =	vst v0  }
0x72: {  	[tilespmem:$0x1EF10] =	vst v0  }
0x73: {  	[tilespmem:$0x1EF20] =	vst v0  }
0x74: {  	[tilespmem:$0x1EF30] =	vst v0  }
0x75: {  	[tilespmem:$0x1EF40] =	vst v0  }
0x76: {  	[tilespmem:$0x1EF50] =	vst v0  }
0x77: {  	[tilespmem:$0x1EF60] =	vst v0  }
0x78: {  	[tilespmem:$0x1EF70] =	vst v0  }
0x79: {  	[tilespmem:$0x1EF80] =	vst v0  }
0x7a: {  	[tilespmem:$0x1EF90] =	vst v0  }
0x7b: {  	s16 =	simm.s32 $0x1ED30;
	[tilespmem:$0x1EFA0] =	vst v0  }
0x7c: {  	[spmem:s6] =	stream.linear.scatter [tilespmem:s16], [sflag:$0x4], $0x280, $0x38;
	[tilespmem:$0x1F230] =	vst v63  }
0x7d: {  	_ =	swait.ge [sflag:s29], $0x280  }
0x7e: {  	[sflag:s29] =	ssyncset.done $0x0  }
0x7f: {  	s17 =	simm.s32 $0x0;
	s12 =	rddreg [dreg:$0x5];
	[sflag:s29] =	ssyncadd.s32 $0xFFFFFD80  }
0x80: {  	[tilespmem:s17], [sflag:$0x4] =	stream.linear.gather [hbm4b:s12+s17], $0x2710, $0x38;
	[tilespmem:$0x1F230] =	vst v63  }
0x81: {  	_ =	swait.ge [sflag:s29], $0x2710  }
0x82: {  	[sflag:s29] =	ssyncset.done $0x0  }
0x83: {  	s13 =	simm.s32 $0x2710;
	s16 =	rddreg [dreg:$0x6];
	[sflag:s29] =	ssyncadd.s32 $0xFFFFD8F0  }
0x84: {  	[tilespmem:s13], [sflag:$0x4] =	stream.linear.gather [hbm4b:s16+s17], $0x2710, $0x38;
	[tilespmem:$0x1F230] =	vst v63  }
0x85: {  	_ =	swait.ge [sflag:s29], $0x2710  }
0x86: {  	[sflag:s29] =	ssyncset.done $0x0  }
0x87: {  	s11 =	simm.s32 @p0 $0x1FC4;
	s12 =	rddreg [dreg:$0x8];
	[sflag:s29] =	ssyncadd.s32 $0xFFFFD8F0  }
0x88: {  	[spmem:s22], [sflag:s11] =	dma.local @p0 [hbm:s12], $0xC80  }
0x89: {  	s11 =	simm.s32 @p0 $0x4  }
0x8a: {  	_ =	swait.ge @p0 [sflag:s11], $0xC80  }
0x8b: {  	s12 =	sshll.u32 @!p0 s15, $0x6;
	[sflag:s11] =	ssyncset.done @p0 $0x0  }
0x8c: {  	[sflag:s11] =	ssyncadd.s32 @p0 $0xFFFFF380;
	s11 =	sor.u32 @!p0 $0x1C04, s12;
	s12 =	rddreg [dreg:$0x7]  }
0x8d: {  	[spmem:s23], [sflag:s11] =	dma.local @!p0 [hbm:s12], $0x1400  }
0x8e: {  	s12 =	simm.s32 @!p0 $0x4  }
0x8f: {  	_ =	swait.ge @!p0 [sflag:s12], $0x1400  }
0x90: {  	[sflag:s12] =	ssyncset.done @!p0 $0x0  }
0x91: {  	[sflag:s12] =	ssyncadd.s32 @!p0 $0xFFFFEC00  }
0x92: {  	s17 =	simm.s32 $0x0;
	[bflag:$0x0] =	sbarrier.arrive $0xFFFF  }
0x93: {  	[tilespmem:s28], [sflag:$0x1] =	stream.indirect.gather [spmem:s4], $0x40, s17, s1, $0xb8;
	[tilespmem:$0x1F230] =	vst v63  }
0x94: {  	s13 =	simm.s32 $0xC8  }
0x95: {  	[tilespmem:s30], [sflag:$0x2] =	stream.indirect.gather [spmem:s4], $0x40, s13, s1, $0xb8;
	[tilespmem:$0x1F230] =	vst v63  }
0x96: {  	_ =	swait.ge [sflag:s31], $0x3200  }
0x97: {  	[sflag:s31] =	ssyncset.done $0x0  }
0x98: {  	s15 =	simm.s32 $0x2710;
	[sflag:s31] =	ssyncadd.s32 $0xFFFFCE00  }
0x99: {  	[spmem:s3] =	stream.indirect.scatter.add.f32 [tilespmem:s5], [sflag:$0x3], $0x1, s15, s1, $0xb8;
	[tilespmem:$0x1F230] =	vst v63  }
0x9a: {  	_ = 	snop  }
0x9b: {  	[spmem:s2] =	stream.indirect.scatter.add.f32 [tilespmem:s28], [sflag:$0x4], $0x40, s15, s1, $0xb8;
	[tilespmem:$0x1F230] =	vst v63  }
0x9c: {  	_ =	swait.ge [sflag:s29], $0x3200  }
0x9d: {  	[sflag:s29] =	ssyncset.done $0x0  }
0x9e: {  	s16 =	simm.s32 $0x190;
	[sflag:s29] =	ssyncadd.s32 $0xFFFFCE00  }
0x9f: {  	[tilespmem:s28], [sflag:$0x1] =	stream.indirect.gather [spmem:s4], $0x40, s16, s1, $0xb8;
	[tilespmem:$0x1F230] =	vst v63  }
0xa0: {  	_ =	swait.ge [sflag:s7], $0x3200  }
0xa1: {  	[sflag:s7] =	ssyncset.done $0x0  }
0xa2: {  	s17 =	simm.s32 $0x27D8;
	[sflag:s7] =	ssyncadd.s32 $0xFFFFCE00  }
0xa3: {  	[spmem:s3] =	stream.indirect.scatter.add.f32 [tilespmem:s5], [sflag:$0x3], $0x1, s17, s1, $0xb8;
	[tilespmem:$0x1F230] =	vst v63  }
0xa4: {  	_ = 	snop  }
0xa5: {  	[spmem:s2] =	stream.indirect.scatter.add.f32 [tilespmem:s30], [sflag:$0x4], $0x40, s17, s1, $0xb8;
	[tilespmem:$0x1F230] =	vst v63  }
0xa6: {  	_ =	swait.ge [sflag:s29], $0x3200  }
0xa7: {  	[sflag:s29] =	ssyncset.done $0x0  }
0xa8: {  	[sflag:s29] =	ssyncadd.s32 $0xFFFFCE00  }
0xa9: {  	_ =	swait.ge [sflag:s8], $0xC8  }
0xaa: {  	[sflag:s8] =	ssyncset.done $0x0  }
0xab: {  	[sflag:s8] =	ssyncadd.s32 $0xFFFFFF38  }
0xac: {  	_ =	swait.ge [sflag:s8], $0xC8  }
0xad: {  	s12 =	simm.s32 $0x190;
	s13 =	simm.s32 $0xC80;
	[sflag:s8] =	ssyncset.done $0x0  }
.LBB2_4:
0xae: {  	s15 =	sadd.s32 $0xC8, s12  }
0xaf: {  	[sflag:s8] =	ssyncadd.s32 $0xFFFFFF38;
	s16 =	smov.u32 s13;
	s17 =	sadd.s32 $0x640, s13  }
0xb0: {  	[tilespmem:s30], [sflag:$0x2] =	stream.indirect.gather [spmem:s4], $0x40, s15, s1, $0xb8;
	[tilespmem:$0x1F230] =	vst v63  }
0xb1: {  	p1 =	sne.s32 s13, $0x8FC0;
	_ =	swait.ge [sflag:s31], $0x3200  }
0xb2: {  	[sflag:s31] =	ssyncset.done $0x0  }
0xb3: {  	s13 =	sadd.s32 $0x2710, s12;
	[sflag:s31] =	ssyncadd.s32 $0xFFFFCE00  }
0xb4: {  	[spmem:s3] =	stream.indirect.scatter.add.f32 [tilespmem:s5], [sflag:$0x3], $0x1, s13, s1, $0xb8;
	[tilespmem:$0x1F230] =	vst v63  }
0xb5: {  	_ = 	snop  }
0xb6: {  	[spmem:s2] =	stream.indirect.scatter.add.f32 [tilespmem:s28], [sflag:$0x4], $0x40, s13, s1, $0xb8;
	[tilespmem:$0x1F230] =	vst v63  }
0xb7: {  	_ =	swait.ge [sflag:s29], $0x3200  }
0xb8: {  	[sflag:s29] =	ssyncset.done $0x0  }
0xb9: {  	s13 =	sadd.s32 $0x190, s12;
	[sflag:s29] =	ssyncadd.s32 $0xFFFFCE00  }
0xba: {  	[tilespmem:s28], [sflag:$0x1] =	stream.indirect.gather [spmem:s4], $0x40, s13, s1, $0xb8;
	[tilespmem:$0x1F230] =	vst v63  }
0xbb: {  	_ =	swait.ge [sflag:s7], $0x3200  }
0xbc: {  	[sflag:s7] =	ssyncset.done $0x0  }
0xbd: {  	s12 =	sadd.s32 $0x27D8, s12;
	[sflag:s7] =	ssyncadd.s32 $0xFFFFCE00  }
0xbe: {  	[spmem:s3] =	stream.indirect.scatter.add.f32 [tilespmem:s5], [sflag:$0x3], $0x1, s12, s1, $0xb8;
	[tilespmem:$0x1F230] =	vst v63  }
0xbf: {  	_ = 	snop  }
0xc0: {  	[spmem:s2] =	stream.indirect.scatter.add.f32 [tilespmem:s30], [sflag:$0x4], $0x40, s12, s1, $0xb8;
	[tilespmem:$0x1F230] =	vst v63  }
0xc1: {  	_ =	swait.ge [sflag:s29], $0x3200  }
0xc2: {  	[sflag:s29] =	ssyncset.done $0x0  }
0xc3: {  	[sflag:s29] =	ssyncadd.s32 $0xFFFFCE00  }
.Ltmp1:
0xc4: {  	_ =	swait.ge [sflag:s8], $0xC8;
	(pc) =	sbr.rel @p1 .LBB2_4-.Ltmp1, $4  }
0xc5: {  	[sflag:s8] =	ssyncset.done $0x0  }
0xc6: {  	[sflag:s8] =	ssyncadd.s32 $0xFFFFFF38  }
0xc7: {  	_ =	swait.ge [sflag:s8], $0xC8  }
0xc8: {  	s13 =	smov.u32 s17;
	s12 =	sshra.s32 s16, $0x2;
	[sflag:s8] =	ssyncset.done $0x0  }
0xc9: {  	s13 =	sadd.s32 $0xC8, s12;
	[sflag:s8] =	ssyncadd.s32 $0xFFFFFF38  }
0xca: {  	[tilespmem:s30], [sflag:$0x2] =	stream.indirect.gather [spmem:s4], $0x40, s13, s1, $0xb8;
	[tilespmem:$0x1F230] =	vst v63  }
0xcb: {  	_ =	swait.ge [sflag:s31], $0x3200  }
0xcc: {  	[sflag:s31] =	ssyncset.done $0x0  }
0xcd: {  	s16 =	sadd.s32 $0x2710, s12;
	[sflag:s31] =	ssyncadd.s32 $0xFFFFCE00  }
0xce: {  	[spmem:s3] =	stream.indirect.scatter.add.f32 [tilespmem:s5], [sflag:$0x3], $0x1, s16, s1, $0xb8;
	[tilespmem:$0x1F230] =	vst v63  }
0xcf: {  	_ = 	snop  }
0xd0: {  	[spmem:s2] =	stream.indirect.scatter.add.f32 [tilespmem:s28], [sflag:$0x4], $0x40, s16, s1, $0xb8;
	[tilespmem:$0x1F230] =	vst v63  }
0xd1: {  	_ =	swait.ge [sflag:s29], $0x3200  }
0xd2: {  	[sflag:s29] =	ssyncset.done $0x0  }
0xd3: {  	s17 =	sadd.s32 $0x190, s12;
	[sflag:s29] =	ssyncadd.s32 $0xFFFFCE00  }
0xd4: {  	[tilespmem:s28], [sflag:$0x1] =	stream.indirect.gather [spmem:s4], $0x40, s17, s1, $0xb8;
	[tilespmem:$0x1F230] =	vst v63  }
0xd5: {  	_ =	swait.ge [sflag:s7], $0x3200  }
0xd6: {  	[sflag:s7] =	ssyncset.done $0x0  }
0xd7: {  	s15 =	sadd.s32 $0x27D8, s12;
	[sflag:s7] =	ssyncadd.s32 $0xFFFFCE00  }
0xd8: {  	[spmem:s3] =	stream.indirect.scatter.add.f32 [tilespmem:s5], [sflag:$0x3], $0x1, s15, s1, $0xb8;
	[tilespmem:$0x1F230] =	vst v63  }
0xd9: {  	_ = 	snop  }
0xda: {  	[spmem:s2] =	stream.indirect.scatter.add.f32 [tilespmem:s30], [sflag:$0x4], $0x40, s15, s1, $0xb8;
	[tilespmem:$0x1F230] =	vst v63  }
0xdb: {  	_ =	swait.ge [sflag:s29], $0x3200  }
0xdc: {  	[sflag:s29] =	ssyncset.done $0x0  }
0xdd: {  	[sflag:s29] =	ssyncadd.s32 $0xFFFFCE00  }
0xde: {  	_ =	swait.ge [sflag:s8], $0xC8  }
0xdf: {  	[sflag:s8] =	ssyncset.done $0x0  }
0xe0: {  	[sflag:s8] =	ssyncadd.s32 $0xFFFFFF38  }
0xe1: {  	_ =	swait.ge [sflag:s8], $0xC8  }
0xe2: {  	[sflag:s8] =	ssyncset.done $0x0  }
0xe3: {  	s16 =	simm.s32 $0x2648;
	[sflag:s8] =	ssyncadd.s32 $0xFFFFFF38  }
0xe4: {  	[tilespmem:s30], [sflag:$0x2] =	stream.indirect.gather [spmem:s4], $0x40, s16, s1, $0xb8;
	[tilespmem:$0x1F230] =	vst v63  }
0xe5: {  	_ =	swait.ge [sflag:s31], $0x3200  }
0xe6: {  	[sflag:s31] =	ssyncset.done $0x0  }
0xe7: {  	[sflag:s31] =	ssyncadd.s32 $0xFFFFCE00  }
0xe8: {  	[spmem:s3] =	stream.indirect.scatter.add.f32 [tilespmem:s5], [sflag:$0x3], $0x1, s0, s1, $0xb8;
	[tilespmem:$0x1F230] =	vst v63  }
0xe9: {  	_ = 	snop  }
0xea: {  	[spmem:s2] =	stream.indirect.scatter.add.f32 [tilespmem:s28], [sflag:$0x4], $0x40, s0, s1, $0xb8;
	[tilespmem:$0x1F230] =	vst v63  }
0xeb: {  	_ =	swait.ge [sflag:s29], $0x3200  }
0xec: {  	[sflag:s29] =	ssyncset.done $0x0  }
0xed: {  	[sflag:s29] =	ssyncadd.s32 $0xFFFFCE00  }
0xee: {  	_ =	swait.ge [sflag:s7], $0x3200  }
0xef: {  	[sflag:s7] =	ssyncset.done $0x0  }
0xf0: {  	[sflag:s7] =	ssyncadd.s32 $0xFFFFCE00  }
0xf1: {  	[spmem:s3] =	stream.indirect.scatter.add.f32 [tilespmem:s5], [sflag:$0x3], $0x1, s9, s1, $0xb8;
	[tilespmem:$0x1F230] =	vst v63  }
0xf2: {  	_ = 	snop  }
0xf3: {  	[spmem:s2] =	stream.indirect.scatter.add.f32 [tilespmem:s30], [sflag:$0x4], $0x40, s9, s1, $0xb8;
	[tilespmem:$0x1F230] =	vst v63  }
0xf4: {  	_ =	swait.ge [sflag:s29], $0x3200  }
0xf5: {  	[sflag:s29] =	ssyncset.done $0x0  }
0xf6: {  	[sflag:s29] =	ssyncadd.s32 $0xFFFFCE00  }
0xf7: {  	_ =	swait.ge [sflag:s8], $0xC8  }
0xf8: {  	[sflag:s8] =	ssyncset.done $0x0  }
0xf9: {  	[sflag:s8] =	ssyncadd.s32 $0xFFFFFF38  }
0xfa: {  	_ =	swait.ge [sflag:s8], $0xC8  }
0xfb: {  	[sflag:s8] =	ssyncset.done $0x0  }
0xfc: {  	[sflag:s8] =	ssyncadd.s32 $0xFFFFFF38  }
0xfd: {  	[bflag:$0x0] =	sbarrier.arrive $0xFFFF  }
0xfe: {  	s12 =	simm.s32 @p0 $0x1FC4;
	s13 =	rddreg [dreg:$0xa]  }
0xff: {  	[hbm:s13], [sflag:s12] =	dma.local @p0 [spmem:s24], $0x1040  }
0x100: {  	s12 =	simm.s32 @p0 $0x4  }
0x101: {  	_ =	swait.ge @p0 [sflag:s12], $0x1040  }
0x102: {  	[sflag:s12] =	ssyncset.done @p0 $0x0  }
0x103: {  	[sflag:s12] =	ssyncadd.s32 @p0 $0xFFFFEFC0;
	s12 =	rddreg [dreg:$0x9]  }
0x104: {  	[hbm:s12], [sflag:s11] =	dma.local @!p0 [spmem:s25], $0x13C0  }
0x105: {  	s11 =	simm.s32 @!p0 $0x4  }
0x106: {  	s15 =	stileid.u32;
	_ =	swait.ge @!p0 [sflag:s11], $0x13C0  }
0x107: {  	s17 =	sshll.u32 s15, $0x6;
	s13 =	sshrl.u32 s6, $0x3;
	[sflag:s11] =	ssyncset.done @!p0 $0x0  }
0x108: {  	s12 =	sor.u32 $0x1C04, s17;
	s16 =	rddreg [dreg:$0xb];
	[sflag:s11] =	ssyncadd.s32 @!p0 $0xFFFFEC40  }
0x109: {  	[hbm:s16], [sflag:s12] =	dma.local [spmem:s13], $0x50  }
0x10a: {  	_ =	swait.ge [sflag:s29], $0x50  }
0x10b: {  	s10 =	sadd.s32 $0x1, s10;
	s17 =	rddreg [dreg:$0xc]  }
0x10c: {  	p1 =	sne.s32 s10, s17  }
.Ltmp2:
0x10d: {  	_ = 	snop;
	(pc) =	sbr.rel @p1 .LBB2_1-.Ltmp2, $3  }
0x10e: {  	_ =	sdelay $0x1  }
0x10f: {  	[sflag:s29] =	ssyncset.done $0x0  }
0x110: {  	[sflag:s29] =	ssyncadd.s32 $0xFFFFFFB0  }
0x111: {  	_ =	sfence.sel $0x180000  }
0x112: {  	[bflag:$0x0] =	sbarrier.arrive $0xFFFF  }
0x113: {  	_ =	strace $0x90000047  }
0x114: {  	[bflag:$0x2] =	sbarrier.arrive $0xFFFF  }
0x115: {  	p0 =	sne.s32 s15, $0x0;
	s0 =	rddreg [dreg:$0x4]  }
0x116: {  	s0 =	sadd.s32 @!p0 $0x100000, s0  }
0x117: {  	[sflag:s0] =	ssyncadd.tile.s32 @!p0 $0x1;
	_ =	shalt  }
.Lfunc_end2:
_tile_overlayer_lowered:
.L_overlay_start_2:
0x118: {  	(tag) =	ssettag $0x2  }
0x119: {  	s0 =	rddreg [dreg:$0x0];
	s2 =	stileid.u32  }
0x11a: {  	s1 =	rddreg [dreg:$0x1];
	p0 =	sne.s32 s2, $0x0  }
0x11b: {  	s3 =	rddreg [dreg:$0x2];
	[bflag:$0x3] =	sbarrier.arrive $0xFFFF;
	s2 =	simm.s32 @!p0 $0x1C04  }
0x11c: {  	[timem:s3], [sflag:s2] =	dma.local @!p0 [hbm:s0], s1  }
0x11d: {  	s0 =	simm.s32 @!p0 $0x4  }
0x11e: {  	_ =	swait.ge @!p0 [sflag:s0], s1  }
0x11f: {  	s1 =	ssub.s32 @!p0 $0x0, s1;
	[sflag:s0] =	ssyncset.done @!p0 $0x0  }
0x120: {  	[sflag:s0] =	ssyncadd.s32 @!p0 s1  }
0x121: {  	[bflag:$0x3] =	sbarrier.arrive $0xFFFF  }
0x122: {  	_ =	shalt  }

</sc_bundles>
